<compile_context>
chip_gen: v7x
topology: tpu7x:2x2x1
jax: 0.10.2.dev20260603
libtpu: 0.0.44.dev20260713+nightly
codegen_flags: <defaults>
</compile_context>

<pallas_src>
import functools

import jax
import jax.numpy as jnp
from jax import lax
from jax.experimental import pallas as pl
from jax.experimental.pallas import tpu as pltpu
from jax.experimental.pallas import tpu_sc as plsc

N = 10000
E = 320000
D = 128
DH = D // 2
ACT = 10
H = 32

NPAD = 10240
NC = 2
NS = 16
NW = NC * NS
KW = 80
CH = (E // NW) // KW
CH2 = (E // NS) // KW
ROWS_PER_TILE = NPAD // NS
DEG_PER_TILE = NPAD // NS


def _sc_mesh():
    return plsc.VectorSubcoreMesh(core_axis_name="c", subcore_axis_name="s")


def _sc_degree(dst3, zeros_deg, ones_kw):

    @functools.partial(
        pl.kernel,
        mesh=_sc_mesh(),
        out_type=jax.ShapeDtypeStruct((NC * NPAD,), jnp.float32),
        scratch_types=[
            pltpu.VMEM((CH, KW), jnp.int32),
            pltpu.VMEM((KW,), jnp.float32),
            pltpu.VMEM_SHARED((NPAD,), jnp.float32),
        ],
    )
    def k(dst_hbm, z_hbm, ones_hbm, out_hbm, dbuf, ones_v, deg_sp):
        c = lax.axis_index("c")
        s = lax.axis_index("s")
        w = c * NS + s
        pltpu.sync_copy(z_hbm, deg_sp.at[pl.ds(s * DEG_PER_TILE, DEG_PER_TILE)])
        pltpu.sync_copy(ones_hbm, ones_v)
        pltpu.sync_copy(dst_hbm.at[w], dbuf)
        plsc.subcore_barrier()

        def body(j, carry):
            pltpu.sync_copy(ones_v, deg_sp.at[dbuf.at[j]], add=True)
            return carry

        lax.fori_loop(0, CH, body, 0)
        plsc.subcore_barrier()
        pltpu.sync_copy(
            deg_sp.at[pl.ds(s * DEG_PER_TILE, DEG_PER_TILE)],
            out_hbm.at[pl.ds(c * NPAD + s * DEG_PER_TILE, DEG_PER_TILE)],
        )

    return k(dst3, zeros_deg, ones_kw)


def _sc_aggregate(y2, src2, dst2, zeros_rows):

    @functools.partial(
        pl.kernel,
        mesh=_sc_mesh(),
        compiler_params=pltpu.CompilerParams(use_tc_tiling_on_sc=False),
        out_type=jax.ShapeDtypeStruct((NC, NPAD, DH), jnp.float32),
        scratch_types=[
            pltpu.VMEM((CH2, KW), jnp.int32),
            pltpu.VMEM((CH2, KW), jnp.int32),
            pltpu.VMEM((KW, DH), jnp.float32),
            pltpu.VMEM((KW, DH), jnp.float32),
            pltpu.SemaphoreType.DMA,
            pltpu.SemaphoreType.DMA,
            pltpu.SemaphoreType.DMA,
            pltpu.SemaphoreType.DMA,
            pltpu.VMEM_SHARED((NPAD, DH), jnp.float32),
        ],
    )
    def k(y_hbm, src_hbm, dst_hbm, z_hbm, out_hbm, sbuf, dbuf, rows0, rows1,
          sem0, sem1, sems0, sems1, agg_sp):
        c = lax.axis_index("c")
        s = lax.axis_index("s")
        pltpu.sync_copy(z_hbm, agg_sp.at[pl.ds(s * ROWS_PER_TILE, ROWS_PER_TILE)])
        pltpu.sync_copy(src_hbm.at[s], sbuf)
        pltpu.sync_copy(dst_hbm.at[s], dbuf)
        def shift(i, carry):
            r = i // (KW // 16)
            col = (i % (KW // 16)) * 16
            v = sbuf[r, pl.ds(col, 16)]
            sbuf[r, pl.ds(col, 16)] = v + v + c
            return carry

        lax.fori_loop(0, CH2 * (KW // 16), shift, 0)
        plsc.subcore_barrier()

        pltpu.async_copy(y_hbm.at[sbuf.at[0]], rows0, sem0)
        pltpu.async_copy(y_hbm.at[sbuf.at[1]], rows1, sem1)

        def body(g, carry):
            j0 = 2 * g
            pltpu.make_async_copy(y_hbm.at[sbuf.at[j0]], rows0, sem0).wait()
            pltpu.sync_copy(rows0, agg_sp.at[dbuf.at[j0]], add=True)
            pltpu.async_copy(y_hbm.at[sbuf.at[j0 + 2]], rows0, sem0)
            pltpu.make_async_copy(y_hbm.at[sbuf.at[j0 + 1]], rows1, sem1).wait()
            pltpu.sync_copy(rows1, agg_sp.at[dbuf.at[j0 + 1]], add=True)
            pltpu.async_copy(y_hbm.at[sbuf.at[j0 + 3]], rows1, sem1)
            return carry

        lax.fori_loop(0, CH2 // 2 - 1, body, 0)
        pltpu.make_async_copy(y_hbm.at[sbuf.at[CH2 - 2]], rows0, sem0).wait()
        pltpu.sync_copy(rows0, agg_sp.at[dbuf.at[CH2 - 2]], add=True)
        pltpu.make_async_copy(y_hbm.at[sbuf.at[CH2 - 1]], rows1, sem1).wait()
        pltpu.sync_copy(rows1, agg_sp.at[dbuf.at[CH2 - 1]], add=True)
        plsc.subcore_barrier()
        pltpu.sync_copy(
            agg_sp.at[pl.ds(s * ROWS_PER_TILE, ROWS_PER_TILE)],
            out_hbm.at[c, pl.ds(s * ROWS_PER_TILE, ROWS_PER_TILE)],
        )

    return k(y2, src2, dst2, zeros_rows)


def _tc_scale_matmul(state, Wc, degp):
    BM = 1000

    def body(x_ref, w_ref, d_ref, o_ref, dv_ref):
        deg = d_ref[:, 0:1] + d_ref[:, 1:2] + 1.0
        dv = lax.rsqrt(deg)
        dv_ref[...] = dv
        o_ref[...] = (
            jnp.dot(x_ref[...], w_ref[...], preferred_element_type=jnp.float32)
            * dv
        )

    return pl.pallas_call(
        body,
        grid=(N // BM,),
        in_specs=[
            pl.BlockSpec((BM, D), lambda i: (i, 0)),
            pl.BlockSpec((D, D), lambda i: (0, 0)),
            pl.BlockSpec((BM, NC), lambda i: (i, 0)),
        ],
        out_specs=[
            pl.BlockSpec((BM, D), lambda i: (i, 0)),
            pl.BlockSpec((BM, 1), lambda i: (i, 0)),
        ],
        out_shape=[
            jax.ShapeDtypeStruct((N, D), jnp.float32),
            jax.ShapeDtypeStruct((N, 1), jnp.float32),
        ],
    )(state, Wc, degp)


def _tc_post(aggp, y2, dinv_col, state, af, Amat, bc2, W1a, w1b, b12, W2, b22, W3, b32):
    BM = 2000
    BG = BM // ACT

    def body(agg_ref, y_ref, dv_ref, x_ref, a_ref, A_ref, bc_ref,
             W1_ref, w1b_ref, b1_ref, W2_ref, b2_ref, W3_ref, b3_ref, o_ref):
        aggsum = jnp.concatenate([agg_ref[0], agg_ref[1]], axis=-1)
        conv = jnp.maximum(dv_ref[...] * (aggsum + y_ref[...]) + bc_ref[...], 0.0)
        x = conv + x_ref[...]
        h1 = jnp.maximum(
            jnp.dot(x, W1_ref[...], preferred_element_type=jnp.float32)
            + a_ref[...] * w1b_ref[...]
            + b1_ref[...],
            0.0,
        )
        h2 = jnp.maximum(
            jnp.dot(h1, W2_ref[...], preferred_element_type=jnp.float32)
            + b2_ref[...],
            0.0,
        )
        hs = jnp.dot(A_ref[...], h2, preferred_element_type=jnp.float32)
        o_ref[...] = (
            jnp.dot(hs, W3_ref[...], preferred_element_type=jnp.float32)
            + b3_ref[...]
        )

    return pl.pallas_call(
        body,
        grid=(N // BM,),
        in_specs=[
            pl.BlockSpec((NC, BM, DH), lambda i: (0, i, 0)),
            pl.BlockSpec((BM, D), lambda i: (i, 0)),
            pl.BlockSpec((BM, 1), lambda i: (i, 0)),
            pl.BlockSpec((BM, D), lambda i: (i, 0)),
            pl.BlockSpec((BM, 1), lambda i: (i, 0)),
            pl.BlockSpec((BG, BM), lambda i: (0, 0)),
            pl.BlockSpec((1, D), lambda i: (0, 0)),
            pl.BlockSpec((D, H), lambda i: (0, 0)),
            pl.BlockSpec((1, H), lambda i: (0, 0)),
            pl.BlockSpec((1, H), lambda i: (0, 0)),
            pl.BlockSpec((H, H), lambda i: (0, 0)),
            pl.BlockSpec((1, H), lambda i: (0, 0)),
            pl.BlockSpec((H, 1), lambda i: (0, 0)),
            pl.BlockSpec((1, 1), lambda i: (0, 0)),
        ],
        out_specs=pl.BlockSpec((BG, 1), lambda i: (i, 0)),
        out_shape=jax.ShapeDtypeStruct((N // ACT, 1), jnp.float32),
    )(aggp, y2, dinv_col, state, af, Amat, bc2, W1a, w1b, b12, W2, b22, W3, b32)


def kernel(state, edge_index, action, Wc, bc, W1, b1, W2, b2, W3, b3):
    src2 = edge_index[0].reshape(NS, CH2, KW)
    dst2 = edge_index[1].reshape(NS, CH2, KW)
    dst3 = edge_index[1].reshape(NW, CH, KW)
    af = action.reshape(N, 1)
    zeros_deg = jnp.zeros((DEG_PER_TILE,), jnp.float32)
    ones_kw = jnp.ones((KW,), jnp.float32)
    zeros_rows = jnp.zeros((ROWS_PER_TILE, DH), jnp.float32)
    BM = 2000
    BG = BM // ACT
    Amat = (jnp.arange(BM, dtype=jnp.int32) // ACT
            == jnp.arange(BG, dtype=jnp.int32)[:, None]).astype(jnp.float32)

    degp = _sc_degree(dst3, zeros_deg, ones_kw).reshape(NC, NPAD)
    degp_t = degp.T[:N]
    y, dinv_col = _tc_scale_matmul(state, Wc, degp_t)
    y2flat = y.reshape(NC * N, DH)
    aggp = _sc_aggregate(y2flat, src2, dst2, zeros_rows)
    out2 = _tc_post(
        aggp, y, dinv_col, state, af, Amat,
        bc.reshape(1, D), W1[:D], W1[D:], b1.reshape(1, H),
        W2, b2.reshape(1, H), W3, b3.reshape(1, 1),
    )
    return out2.reshape(N // ACT)

# --- scband reference (transcript-rebuilt; emitter-appended) ---
"""Pipeline reference for scband-gnncritic4-27195732918302 (READ-ONLY COPY).

The authoritative reference and input builder live on the scoring server;
editing this copy changes nothing except your own understanding.
"""

import jax, jax.numpy as jnp
import numpy as np

N = 10000
E = 320000
D = 128
ACT = 10
H = 32


def setup_inputs(seed: int = 0) -> dict:
    key = jax.random.key(seed)
    ks = jax.random.split(key, 12)
    state = jax.random.normal(ks[0], (N, D), dtype=jnp.float32)
    edge_index = jax.random.randint(ks[1], (2, E), 0, N, dtype=jnp.int32)
    action = jax.random.uniform(ks[2], (N // ACT, ACT, 1), dtype=jnp.float32)
    # GCNConv params (in_channels -> in_channels)
    Wc = jax.random.normal(ks[3], (D, D), dtype=jnp.float32) * (1.0 / np.sqrt(D))
    bc = jnp.zeros((D,), dtype=jnp.float32)
    # lin1: (in_channels + 1) -> hidden (mode=1)
    W1 = jax.random.normal(ks[4], (D + 1, H), dtype=jnp.float32) * (1.0 / np.sqrt(D + 1))
    b1 = jax.random.normal(ks[5], (H,), dtype=jnp.float32) * 0.01
    W2 = jax.random.normal(ks[6], (H, H), dtype=jnp.float32) * (1.0 / np.sqrt(H))
    b2 = jax.random.normal(ks[7], (H,), dtype=jnp.float32) * 0.01
    W3 = jax.random.normal(ks[8], (H, 1), dtype=jnp.float32) * (1.0 / np.sqrt(H))
    b3 = jax.random.normal(ks[9], (1,), dtype=jnp.float32) * 0.01
    return {"state": state, "edge_index": edge_index, "action": action,
            "Wc": Wc, "bc": bc, "W1": W1, "b1": b1, "W2": W2, "b2": b2,
            "W3": W3, "b3": b3}


def _gcn_conv(x, edge_index, Wc, bc):
    src = edge_index[0]
    dst = edge_index[1]
    loop = jnp.arange(N, dtype=src.dtype)
    src2 = jnp.concatenate([src, loop], axis=0)
    dst2 = jnp.concatenate([dst, loop], axis=0)
    ones = jnp.ones((src2.shape[0],), dtype=jnp.float32)
    deg = jax.ops.segment_sum(ones, dst2, num_segments=N)
    dinv = 1.0 / jnp.sqrt(jnp.maximum(deg, 1.0))
    norm = dinv[src2] * dinv[dst2]
    xw = x @ Wc
    msg = xw[src2] * norm[:, None]
    agg = jax.ops.segment_sum(msg, dst2, num_segments=N)
    return agg + bc


def reference(state, edge_index, action, Wc, bc, W1, b1, W2, b2, W3, b3):
    out = jax.nn.relu(_gcn_conv(state, edge_index, Wc, bc))
    x = out + state
    x = x.reshape(-1, ACT, D)
    concat = jnp.concatenate([x, action], axis=-1)
    x = jax.nn.relu(concat @ W1 + b1)
    x = jax.nn.relu(x @ W2 + b2)
    x = jnp.sum(x, axis=1)
    x = (x @ W3 + b3).squeeze(-1)
    return x

if __name__ == "__main__":
    import jax
    _d = setup_inputs()
    print(jax.jit(kernel)(*tuple(_d.values())))

</pallas_src>

<mosaic_0001>
#map = affine_map<(d0, d1) -> (0, 0, 0)>
#map1 = affine_map<(d0, d1) -> (0)>
module attributes {stable_mosaic.version = 14 : i64} {
  func.func @k(%arg0: i32, %arg1: i32, %arg2: memref<32x125x80xi32, #tpu.memory_space<hbm>>, %arg3: memref<640xf32, #tpu.memory_space<hbm>>, %arg4: memref<80xf32, #tpu.memory_space<hbm>>, %arg5: memref<20480xf32, #tpu.memory_space<hbm>>, %arg6: memref<125x80xi32, #tpu.memory_space<vmem>>, %arg7: memref<80xf32, #tpu.memory_space<vmem>>, %arg8: memref<10240xf32, #tpu.memory_space<vmem_shared>>) attributes {dimension_semantics = [#tpu.dimension_semantics<core_parallel>, #tpu.dimension_semantics<subcore_parallel>], iteration_bounds = array<i64: 2, 16>, scalar_prefetch = 0 : i64, scratch_operands = 3 : i64, tpu.core_type = #tpu.core_type<sc_vector_subcore>, window_params = [{transform_indices = #map}, {transform_indices = #map1}, {transform_indices = #map1}, {transform_indices = #map1}]} {
    %mul3A = arith.constant 16 : i32
    %mul3A_0 = arith.muli %arg0, %mul3A : i32
    %add3A = arith.addi %mul3A_0, %arg1 : i32
    %mul3A_1 = arith.constant 640 : i32
    %mul3A_2 = arith.muli %arg1, %mul3A_1 : i32
    "tpu.region"() ({
      %run_scoped3A = tpu.sem_alloc : memref<!tpu.dma_semaphore, #tpu.memory_space<semaphore_mem>>
      %dma_start3A = tpu.memref_slice %arg8[%mul3A_2] : memref<10240xf32, #tpu.memory_space<vmem_shared>> -> memref<640xf32, #tpu.memory_space<vmem_shared>>
      tpu.enqueue_dma source(%arg3 : memref<640xf32, #tpu.memory_space<hbm>>) target(%dma_start3A : memref<640xf32, #tpu.memory_space<vmem_shared>>) target_semaphore(%run_scoped3A : memref<!tpu.dma_semaphore, #tpu.memory_space<semaphore_mem>>)
      %dma_wait3A = tpu.memref_slice %arg8[%mul3A_2] : memref<10240xf32, #tpu.memory_space<vmem_shared>> -> memref<640xf32, #tpu.memory_space<vmem_shared>>
      tpu.wait_dma2 semaphore(%run_scoped3A : memref<!tpu.dma_semaphore, #tpu.memory_space<semaphore_mem>>) src(%arg3 : memref<640xf32, #tpu.memory_space<hbm>>) dst(%dma_wait3A : memref<640xf32, #tpu.memory_space<vmem_shared>>)
      tpu.yield
    }) : () -> ()
    "tpu.region"() ({
      %run_scoped3A = tpu.sem_alloc : memref<!tpu.dma_semaphore, #tpu.memory_space<semaphore_mem>>
      tpu.enqueue_dma source(%arg4 : memref<80xf32, #tpu.memory_space<hbm>>) target(%arg7 : memref<80xf32, #tpu.memory_space<vmem>>) target_semaphore(%run_scoped3A : memref<!tpu.dma_semaphore, #tpu.memory_space<semaphore_mem>>)
      tpu.wait_dma2 semaphore(%run_scoped3A : memref<!tpu.dma_semaphore, #tpu.memory_space<semaphore_mem>>) src(%arg4 : memref<80xf32, #tpu.memory_space<hbm>>) dst(%arg7 : memref<80xf32, #tpu.memory_space<vmem>>)
      tpu.yield
    }) : () -> ()
    "tpu.region"() ({
      %run_scoped3A = tpu.sem_alloc : memref<!tpu.dma_semaphore, #tpu.memory_space<semaphore_mem>>
      %dma_start3A = arith.constant 0 : i32
      %dma_start3A_16 = arith.constant 0 : i32
      %dma_start3A_17 = tpu.memref_slice %arg2[%add3A, %dma_start3A, %dma_start3A_16] : memref<32x125x80xi32, #tpu.memory_space<hbm>> -> memref<1x125x80xi32, #tpu.memory_space<hbm>>
      %dma_start3A_18 = tpu.memref_squeeze %dma_start3A_17 : memref<1x125x80xi32, #tpu.memory_space<hbm>> -> memref<125x80xi32, #tpu.memory_space<hbm>>
      %dma_start3A_19 = arith.constant 0 : i32
      %dma_start3A_20 = arith.constant 0 : i32
      %dma_start3A_21 = tpu.memref_slice %arg2[%add3A, %dma_start3A_19, %dma_start3A_20] : memref<32x125x80xi32, #tpu.memory_space<hbm>> -> memref<1x125x80xi32, #tpu.memory_space<hbm>>
      %dma_start3A_22 = tpu.memref_squeeze %dma_start3A_21 : memref<1x125x80xi32, #tpu.memory_space<hbm>> -> memref<125x80xi32, #tpu.memory_space<hbm>>
      tpu.enqueue_dma source(%dma_start3A_22 : memref<125x80xi32, #tpu.memory_space<hbm>>) target(%arg6 : memref<125x80xi32, #tpu.memory_space<vmem>>) target_semaphore(%run_scoped3A : memref<!tpu.dma_semaphore, #tpu.memory_space<semaphore_mem>>)
      %dma_wait3A = arith.constant 0 : i32
      %dma_wait3A_23 = arith.constant 0 : i32
      %dma_wait3A_24 = tpu.memref_slice %arg2[%add3A, %dma_wait3A, %dma_wait3A_23] : memref<32x125x80xi32, #tpu.memory_space<hbm>> -> memref<1x125x80xi32, #tpu.memory_space<hbm>>
      %dma_wait3A_25 = tpu.memref_squeeze %dma_wait3A_24 : memref<1x125x80xi32, #tpu.memory_space<hbm>> -> memref<125x80xi32, #tpu.memory_space<hbm>>
      %dma_wait3A_26 = arith.constant 0 : i32
      %dma_wait3A_27 = arith.constant 0 : i32
      %dma_wait3A_28 = tpu.memref_slice %arg2[%add3A, %dma_wait3A_26, %dma_wait3A_27] : memref<32x125x80xi32, #tpu.memory_space<hbm>> -> memref<1x125x80xi32, #tpu.memory_space<hbm>>
      %dma_wait3A_29 = tpu.memref_squeeze %dma_wait3A_28 : memref<1x125x80xi32, #tpu.memory_space<hbm>> -> memref<125x80xi32, #tpu.memory_space<hbm>>
      tpu.wait_dma2 semaphore(%run_scoped3A : memref<!tpu.dma_semaphore, #tpu.memory_space<semaphore_mem>>) src(%dma_wait3A_29 : memref<125x80xi32, #tpu.memory_space<hbm>>) dst(%arg6 : memref<125x80xi32, #tpu.memory_space<vmem>>)
      tpu.yield
    }) : () -> ()
    %barrier3A = arith.constant 0 : index
    tpu.barrier barrier_id(%barrier3A)
    %scan3A = arith.constant 0 : i32
    %scan3A_3 = arith.constant 0 : i32
    %scan3A_4 = arith.constant 125 : i32
    %scan3A_5 = arith.addi %scan3A_3, %scan3A_4 : i32
    %scan3A_6 = arith.constant 1 : i32
    scf.for %scan3A_16 = %scan3A_3 to %scan3A_5 step %scan3A_6  : i32 {
      "tpu.region"() ({
        %run_scoped3A = tpu.sem_alloc : memref<!tpu.dma_semaphore, #tpu.memory_space<semaphore_mem>>
        %dma_start3A = arith.constant 0 : i32
        %dma_start3A_17 = tpu.memref_slice %arg6[%scan3A_16, %dma_start3A] : memref<125x80xi32, #tpu.memory_space<vmem>> -> memref<1x80xi32, #tpu.memory_space<vmem>>
        %dma_start3A_18 = tpu.memref_squeeze %dma_start3A_17 : memref<1x80xi32, #tpu.memory_space<vmem>> -> memref<80xi32, #tpu.memory_space<vmem>>
        %dma_start3A_19 = arith.constant 0 : i32
        %dma_start3A_20 = tpu.memref_slice %arg8[%dma_start3A_19] : memref<10240xf32, #tpu.memory_space<vmem_shared>> -> memref<10240xf32, #tpu.memory_space<vmem_shared>>
        tpu.enqueue_indirect_dma source(%arg7 : memref<80xf32, #tpu.memory_space<vmem>>) target(%dma_start3A_20 : memref<10240xf32, #tpu.memory_space<vmem_shared>>) offsets(%dma_start3A_18 : memref<80xi32, #tpu.memory_space<vmem>>) semaphore(%run_scoped3A : memref<!tpu.dma_semaphore, #tpu.memory_space<semaphore_mem>>) {add = true}
        %dma_wait3A = arith.constant 0 : i32
        %dma_wait3A_21 = tpu.memref_slice %arg6[%scan3A_16, %dma_wait3A] : memref<125x80xi32, #tpu.memory_space<vmem>> -> memref<1x80xi32, #tpu.memory_space<vmem>>
        %dma_wait3A_22 = tpu.memref_squeeze %dma_wait3A_21 : memref<1x80xi32, #tpu.memory_space<vmem>> -> memref<80xi32, #tpu.memory_space<vmem>>
        %dma_wait3A_23 = arith.constant 0 : i32
        %dma_wait3A_24 = tpu.memref_slice %arg8[%dma_wait3A_23] : memref<10240xf32, #tpu.memory_space<vmem_shared>> -> memref<10240xf32, #tpu.memory_space<vmem_shared>>
        tpu.wait_indirect_dma semaphore(%run_scoped3A : memref<!tpu.dma_semaphore, #tpu.memory_space<semaphore_mem>>) src(%arg7 : memref<80xf32, #tpu.memory_space<vmem>>) dst(%dma_wait3A_24 : memref<10240xf32, #tpu.memory_space<vmem_shared>>)
        tpu.yield
      }) : () -> ()
    }
    %scan3A_7 = arith.constant 125 : i32
    %barrier3A_8 = arith.constant 0 : index
    tpu.barrier barrier_id(%barrier3A_8)
    %mul3A_9 = arith.constant 640 : i32
    %mul3A_10 = arith.muli %arg1, %mul3A_9 : i32
    %mul3A_11 = arith.constant 10240 : i32
    %mul3A_12 = arith.muli %arg0, %mul3A_11 : i32
    %mul3A_13 = arith.constant 640 : i32
    %mul3A_14 = arith.muli %arg1, %mul3A_13 : i32
    %add3A_15 = arith.addi %mul3A_12, %mul3A_14 : i32
    "tpu.region"() ({
      %run_scoped3A = tpu.sem_alloc : memref<!tpu.dma_semaphore, #tpu.memory_space<semaphore_mem>>
      %dma_start3A = tpu.memref_slice %arg5[%add3A_15] : memref<20480xf32, #tpu.memory_space<hbm>> -> memref<640xf32, #tpu.memory_space<hbm>>
      %dma_start3A_16 = tpu.memref_slice %arg8[%mul3A_10] : memref<10240xf32, #tpu.memory_space<vmem_shared>> -> memref<640xf32, #tpu.memory_space<vmem_shared>>
      tpu.enqueue_dma source(%dma_start3A_16 : memref<640xf32, #tpu.memory_space<vmem_shared>>) target(%dma_start3A : memref<640xf32, #tpu.memory_space<hbm>>) target_semaphore(%run_scoped3A : memref<!tpu.dma_semaphore, #tpu.memory_space<semaphore_mem>>)
      %dma_wait3A = tpu.memref_slice %arg5[%add3A_15] : memref<20480xf32, #tpu.memory_space<hbm>> -> memref<640xf32, #tpu.memory_space<hbm>>
      %dma_wait3A_17 = tpu.memref_slice %arg8[%mul3A_10] : memref<10240xf32, #tpu.memory_space<vmem_shared>> -> memref<640xf32, #tpu.memory_space<vmem_shared>>
      tpu.wait_dma2 semaphore(%run_scoped3A : memref<!tpu.dma_semaphore, #tpu.memory_space<semaphore_mem>>) src(%dma_wait3A_17 : memref<640xf32, #tpu.memory_space<vmem_shared>>) dst(%dma_wait3A : memref<640xf32, #tpu.memory_space<hbm>>)
      tpu.yield
    }) : () -> ()
    return
  }
}

#map = affine_map<(d0, d1) -> (0, 0)>
#map1 = affine_map<(d0, d1) -> (0, 0, 0)>
module attributes {stable_mosaic.version = 14 : i64} {
  func.func @k(%arg0: i32, %arg1: i32, %arg2: memref<20000x64xf32, #tpu.memory_space<hbm>>, %arg3: memref<16x250x80xi32, #tpu.memory_space<hbm>>, %arg4: memref<16x250x80xi32, #tpu.memory_space<hbm>>, %arg5: memref<640x64xf32, #tpu.memory_space<hbm>>, %arg6: memref<2x10240x64xf32, #tpu.memory_space<hbm>>, %arg7: memref<250x80xi32, #tpu.memory_space<vmem>>, %arg8: memref<250x80xi32, #tpu.memory_space<vmem>>, %arg9: memref<80x64xf32, #tpu.memory_space<vmem>>, %arg10: memref<80x64xf32, #tpu.memory_space<vmem>>, %arg11: memref<!tpu.dma_semaphore, #tpu.memory_space<semaphore_mem>>, %arg12: memref<!tpu.dma_semaphore, #tpu.memory_space<semaphore_mem>>, %arg13: memref<!tpu.dma_semaphore, #tpu.memory_space<semaphore_mem>>, %arg14: memref<!tpu.dma_semaphore, #tpu.memory_space<semaphore_mem>>, %arg15: memref<10240x64xf32, #tpu.memory_space<vmem_shared>>) attributes {dimension_semantics = [#tpu.dimension_semantics<core_parallel>, #tpu.dimension_semantics<subcore_parallel>], iteration_bounds = array<i64: 2, 16>, scalar_prefetch = 0 : i64, scratch_operands = 9 : i64, tpu.core_type = #tpu.core_type<sc_vector_subcore>, window_params = [{transform_indices = #map}, {transform_indices = #map1}, {transform_indices = #map1}, {transform_indices = #map}, {transform_indices = #map1}]} {
    %mul3A = arith.constant 640 : i32
    %mul3A_0 = arith.muli %arg1, %mul3A : i32
    "tpu.region"() ({
      %run_scoped3A_44 = tpu.sem_alloc : memref<!tpu.dma_semaphore, #tpu.memory_space<semaphore_mem>>
      %dma_start3A_45 = arith.constant 0 : i32
      %dma_start3A_46 = tpu.memref_slice %arg15[%mul3A_0, %dma_start3A_45] : memref<10240x64xf32, #tpu.memory_space<vmem_shared>> -> memref<640x64xf32, #tpu.memory_space<vmem_shared>>
      tpu.enqueue_dma source(%arg5 : memref<640x64xf32, #tpu.memory_space<hbm>>) target(%dma_start3A_46 : memref<640x64xf32, #tpu.memory_space<vmem_shared>>) target_semaphore(%run_scoped3A_44 : memref<!tpu.dma_semaphore, #tpu.memory_space<semaphore_mem>>)
      %dma_wait3A_47 = arith.constant 0 : i32
      %dma_wait3A_48 = tpu.memref_slice %arg15[%mul3A_0, %dma_wait3A_47] : memref<10240x64xf32, #tpu.memory_space<vmem_shared>> -> memref<640x64xf32, #tpu.memory_space<vmem_shared>>
      tpu.wait_dma2 semaphore(%run_scoped3A_44 : memref<!tpu.dma_semaphore, #tpu.memory_space<semaphore_mem>>) src(%arg5 : memref<640x64xf32, #tpu.memory_space<hbm>>) dst(%dma_wait3A_48 : memref<640x64xf32, #tpu.memory_space<vmem_shared>>)
      tpu.yield
    }) : () -> ()
    "tpu.region"() ({
      %run_scoped3A_44 = tpu.sem_alloc : memref<!tpu.dma_semaphore, #tpu.memory_space<semaphore_mem>>
      %dma_start3A_45 = arith.constant 0 : i32
      %dma_start3A_46 = arith.constant 0 : i32
      %dma_start3A_47 = tpu.memref_slice %arg3[%arg1, %dma_start3A_45, %dma_start3A_46] : memref<16x250x80xi32, #tpu.memory_space<hbm>> -> memref<1x250x80xi32, #tpu.memory_space<hbm>>
      %dma_start3A_48 = tpu.memref_squeeze %dma_start3A_47 : memref<1x250x80xi32, #tpu.memory_space<hbm>> -> memref<250x80xi32, #tpu.memory_space<hbm>>
      %dma_start3A_49 = arith.constant 0 : i32
      %dma_start3A_50 = arith.constant 0 : i32
      %dma_start3A_51 = tpu.memref_slice %arg3[%arg1, %dma_start3A_49, %dma_start3A_50] : memref<16x250x80xi32, #tpu.memory_space<hbm>> -> memref<1x250x80xi32, #tpu.memory_space<hbm>>
      %dma_start3A_52 = tpu.memref_squeeze %dma_start3A_51 : memref<1x250x80xi32, #tpu.memory_space<hbm>> -> memref<250x80xi32, #tpu.memory_space<hbm>>
      tpu.enqueue_dma source(%dma_start3A_52 : memref<250x80xi32, #tpu.memory_space<hbm>>) target(%arg7 : memref<250x80xi32, #tpu.memory_space<vmem>>) target_semaphore(%run_scoped3A_44 : memref<!tpu.dma_semaphore, #tpu.memory_space<semaphore_mem>>)
      %dma_wait3A_53 = arith.constant 0 : i32
      %dma_wait3A_54 = arith.constant 0 : i32
      %dma_wait3A_55 = tpu.memref_slice %arg3[%arg1, %dma_wait3A_53, %dma_wait3A_54] : memref<16x250x80xi32, #tpu.memory_space<hbm>> -> memref<1x250x80xi32, #tpu.memory_space<hbm>>
      %dma_wait3A_56 = tpu.memref_squeeze %dma_wait3A_55 : memref<1x250x80xi32, #tpu.memory_space<hbm>> -> memref<250x80xi32, #tpu.memory_space<hbm>>
      %dma_wait3A_57 = arith.constant 0 : i32
      %dma_wait3A_58 = arith.constant 0 : i32
      %dma_wait3A_59 = tpu.memref_slice %arg3[%arg1, %dma_wait3A_57, %dma_wait3A_58] : memref<16x250x80xi32, #tpu.memory_space<hbm>> -> memref<1x250x80xi32, #tpu.memory_space<hbm>>
      %dma_wait3A_60 = tpu.memref_squeeze %dma_wait3A_59 : memref<1x250x80xi32, #tpu.memory_space<hbm>> -> memref<250x80xi32, #tpu.memory_space<hbm>>
      tpu.wait_dma2 semaphore(%run_scoped3A_44 : memref<!tpu.dma_semaphore, #tpu.memory_space<semaphore_mem>>) src(%dma_wait3A_60 : memref<250x80xi32, #tpu.memory_space<hbm>>) dst(%arg7 : memref<250x80xi32, #tpu.memory_space<vmem>>)
      tpu.yield
    }) : () -> ()
    "tpu.region"() ({
      %run_scoped3A_44 = tpu.sem_alloc : memref<!tpu.dma_semaphore, #tpu.memory_space<semaphore_mem>>
      %dma_start3A_45 = arith.constant 0 : i32
      %dma_start3A_46 = arith.constant 0 : i32
      %dma_start3A_47 = tpu.memref_slice %arg4[%arg1, %dma_start3A_45, %dma_start3A_46] : memref<16x250x80xi32, #tpu.memory_space<hbm>> -> memref<1x250x80xi32, #tpu.memory_space<hbm>>
      %dma_start3A_48 = tpu.memref_squeeze %dma_start3A_47 : memref<1x250x80xi32, #tpu.memory_space<hbm>> -> memref<250x80xi32, #tpu.memory_space<hbm>>
      %dma_start3A_49 = arith.constant 0 : i32
      %dma_start3A_50 = arith.constant 0 : i32
      %dma_start3A_51 = tpu.memref_slice %arg4[%arg1, %dma_start3A_49, %dma_start3A_50] : memref<16x250x80xi32, #tpu.memory_space<hbm>> -> memref<1x250x80xi32, #tpu.memory_space<hbm>>
      %dma_start3A_52 = tpu.memref_squeeze %dma_start3A_51 : memref<1x250x80xi32, #tpu.memory_space<hbm>> -> memref<250x80xi32, #tpu.memory_space<hbm>>
      tpu.enqueue_dma source(%dma_start3A_52 : memref<250x80xi32, #tpu.memory_space<hbm>>) target(%arg8 : memref<250x80xi32, #tpu.memory_space<vmem>>) target_semaphore(%run_scoped3A_44 : memref<!tpu.dma_semaphore, #tpu.memory_space<semaphore_mem>>)
      %dma_wait3A_53 = arith.constant 0 : i32
      %dma_wait3A_54 = arith.constant 0 : i32
      %dma_wait3A_55 = tpu.memref_slice %arg4[%arg1, %dma_wait3A_53, %dma_wait3A_54] : memref<16x250x80xi32, #tpu.memory_space<hbm>> -> memref<1x250x80xi32, #tpu.memory_space<hbm>>
      %dma_wait3A_56 = tpu.memref_squeeze %dma_wait3A_55 : memref<1x250x80xi32, #tpu.memory_space<hbm>> -> memref<250x80xi32, #tpu.memory_space<hbm>>
      %dma_wait3A_57 = arith.constant 0 : i32
      %dma_wait3A_58 = arith.constant 0 : i32
      %dma_wait3A_59 = tpu.memref_slice %arg4[%arg1, %dma_wait3A_57, %dma_wait3A_58] : memref<16x250x80xi32, #tpu.memory_space<hbm>> -> memref<1x250x80xi32, #tpu.memory_space<hbm>>
      %dma_wait3A_60 = tpu.memref_squeeze %dma_wait3A_59 : memref<1x250x80xi32, #tpu.memory_space<hbm>> -> memref<250x80xi32, #tpu.memory_space<hbm>>
      tpu.wait_dma2 semaphore(%run_scoped3A_44 : memref<!tpu.dma_semaphore, #tpu.memory_space<semaphore_mem>>) src(%dma_wait3A_60 : memref<250x80xi32, #tpu.memory_space<hbm>>) dst(%arg8 : memref<250x80xi32, #tpu.memory_space<vmem>>)
      tpu.yield
    }) : () -> ()
    %scan3A = arith.constant 0 : i32
    %scan3A_1 = arith.constant 0 : i32
    %scan3A_2 = arith.constant 1250 : i32
    %scan3A_3 = arith.addi %scan3A_1, %scan3A_2 : i32
    %scan3A_4 = arith.constant 1 : i32
    scf.for %scan3A_44 = %scan3A_1 to %scan3A_3 step %scan3A_4  : i32 {
      %jit3A = arith.constant 5 : i32
      %div3A = arith.divsi %scan3A_44, %jit3A : i32
      %sign3A = arith.constant 0 : i32
      %sign3A_45 = arith.cmpi sgt, %scan3A_44, %sign3A : i32
      %sign3A_46 = arith.extui %sign3A_45 : i1 to i32
      %sign3A_47 = arith.constant 0 : i32
      %sign3A_48 = arith.cmpi slt, %scan3A_44, %sign3A_47 : i32
      %sign3A_49 = arith.extui %sign3A_48 : i1 to i32
      %sign3A_50 = arith.subi %sign3A_46, %sign3A_49 : i32
      %sign3A_51 = arith.constant 0 : i32
      %sign3A_52 = arith.cmpi sgt, %jit3A, %sign3A_51 : i32
      %sign3A_53 = arith.extui %sign3A_52 : i1 to i32
      %sign3A_54 = arith.constant 0 : i32
      %sign3A_55 = arith.cmpi slt, %jit3A, %sign3A_54 : i32
      %sign3A_56 = arith.extui %sign3A_55 : i1 to i32
      %sign3A_57 = arith.subi %sign3A_53, %sign3A_56 : i32
      %ne3A = arith.cmpi ne, %sign3A_50, %sign3A_57 : i32
      %rem3A = arith.remsi %scan3A_44, %jit3A : i32
      %ne3A_58 = arith.constant 0 : i32
      %ne3A_59 = arith.cmpi ne, %rem3A, %ne3A_58 : i32
      %and3A = arith.andi %ne3A, %ne3A_59 : i1
      %sub3A = arith.constant 1 : i32
      %sub3A_60 = arith.subi %div3A, %sub3A : i32
      %select_n3A = arith.select %and3A, %sub3A_60, %div3A : i32
      %jit3A_61 = arith.constant 5 : i32
      %eq3A = arith.constant 0 : i32
      %eq3A_62 = arith.cmpi eq, %jit3A_61, %eq3A : i32
      %jit3A_63 = arith.constant 1 : i32
      %select_n3A_64 = arith.select %eq3A_62, %jit3A_63, %jit3A_61 : i32
      %rem3A_65 = arith.remsi %scan3A_44, %select_n3A_64 : i32
      %ne3A_66 = arith.constant 0 : i32
      %ne3A_67 = arith.cmpi ne, %rem3A_65, %ne3A_66 : i32
      %lt3A = arith.constant 0 : i32
      %lt3A_68 = arith.cmpi slt, %rem3A_65, %lt3A : i32
      %lt3A_69 = arith.constant 0 : i32
      %lt3A_70 = arith.cmpi slt, %select_n3A_64, %lt3A_69 : i32
      %ne3A_71 = arith.xori %lt3A_68, %lt3A_70 : i1
      %and3A_72 = arith.andi %ne3A_71, %ne3A_67 : i1
      %add3A = arith.addi %rem3A_65, %select_n3A_64 : i32
      %select_n3A_73 = arith.select %and3A_72, %add3A, %rem3A_65 : i32
      %mul3A_74 = arith.constant 16 : i32
      %mul3A_75 = arith.muli %select_n3A_73, %mul3A_74 : i32
      %get3A = arith.index_cast %select_n3A : i32 to index
      %get3A_76 = arith.index_cast %mul3A_75 : i32 to index
      %get3A_77 = tpu.vector_load %arg7[%get3A, %get3A_76] {strides = array<i32>} : memref<250x80xi32, #tpu.memory_space<vmem>>, vector<1x16xi32>,
      %get3A_78 = vector.shape_cast %get3A_77 : vector<1x16xi32> to vector<16xi32>
      %add3A_79 = arith.addi %get3A_78, %get3A_78 : vector<16xi32>
      %add3A_80 = vector.broadcast %arg0 : i32 to vector<16xi32>
      %add3A_81 = arith.addi %add3A_79, %add3A_80 : vector<16xi32>
      %swap3A = arith.index_cast %select_n3A : i32 to index
      %swap3A_82 = arith.index_cast %mul3A_75 : i32 to index
      %swap3A_83 = tpu.vector_load %arg7[%swap3A, %swap3A_82] {strides = array<i32>} : memref<250x80xi32, #tpu.memory_space<vmem>>, vector<1x16xi32>,
      %swap3A_84 = vector.shape_cast %swap3A_83 : vector<1x16xi32> to vector<16xi32>
      %swap3A_85 = vector.shape_cast %add3A_81 : vector<16xi32> to vector<1x16xi32>
      tpu.vector_store %arg7[%swap3A, %swap3A_82], %swap3A_85 {strides = array<i32>} : memref<250x80xi32, #tpu.memory_space<vmem>>, vector<1x16xi32>,
    }
    %scan3A_5 = arith.constant 1250 : i32
    %barrier3A = arith.constant 0 : index
    tpu.barrier barrier_id(%barrier3A)
    %dma_start3A = arith.constant 0 : i32
    %dma_start3A_6 = arith.constant 0 : i32
    %dma_start3A_7 = tpu.memref_slice %arg7[%dma_start3A, %dma_start3A_6] : memref<250x80xi32, #tpu.memory_space<vmem>> -> memref<1x80xi32, #tpu.memory_space<vmem>>
    %dma_start3A_8 = tpu.memref_squeeze %dma_start3A_7 : memref<1x80xi32, #tpu.memory_space<vmem>> -> memref<80xi32, #tpu.memory_space<vmem>>
    %dma_start3A_9 = arith.constant 0 : i32
    %dma_start3A_10 = arith.constant 0 : i32
    %dma_start3A_11 = tpu.memref_slice %arg2[%dma_start3A_9, %dma_start3A_10] : memref<20000x64xf32, #tpu.memory_space<hbm>> -> memref<20000x64xf32, #tpu.memory_space<hbm>>
    tpu.enqueue_indirect_dma source(%dma_start3A_11 : memref<20000x64xf32, #tpu.memory_space<hbm>>) target(%arg9 : memref<80x64xf32, #tpu.memory_space<vmem>>) offsets(%dma_start3A_8 : memref<80xi32, #tpu.memory_space<vmem>>) semaphore(%arg11 : memref<!tpu.dma_semaphore, #tpu.memory_space<semaphore_mem>>)
    %dma_start3A_12 = arith.constant 1 : i32
    %dma_start3A_13 = arith.constant 0 : i32
    %dma_start3A_14 = tpu.memref_slice %arg7[%dma_start3A_12, %dma_start3A_13] : memref<250x80xi32, #tpu.memory_space<vmem>> -> memref<1x80xi32, #tpu.memory_space<vmem>>
    %dma_start3A_15 = tpu.memref_squeeze %dma_start3A_14 : memref<1x80xi32, #tpu.memory_space<vmem>> -> memref<80xi32, #tpu.memory_space<vmem>>
    %dma_start3A_16 = arith.constant 0 : i32
    %dma_start3A_17 = arith.constant 0 : i32
    %dma_start3A_18 = tpu.memref_slice %arg2[%dma_start3A_16, %dma_start3A_17] : memref<20000x64xf32, #tpu.memory_space<hbm>> -> memref<20000x64xf32, #tpu.memory_space<hbm>>
    tpu.enqueue_indirect_dma source(%dma_start3A_18 : memref<20000x64xf32, #tpu.memory_space<hbm>>) target(%arg10 : memref<80x64xf32, #tpu.memory_space<vmem>>) offsets(%dma_start3A_15 : memref<80xi32, #tpu.memory_space<vmem>>) semaphore(%arg12 : memref<!tpu.dma_semaphore, #tpu.memory_space<semaphore_mem>>)
    %scan3A_19 = arith.constant 0 : i32
    %scan3A_20 = arith.constant 0 : i32
    %scan3A_21 = arith.constant 124 : i32
    %scan3A_22 = arith.addi %scan3A_20, %scan3A_21 : i32
    %scan3A_23 = arith.constant 1 : i32
    scf.for %scan3A_44 = %scan3A_20 to %scan3A_22 step %scan3A_23  : i32 {
      %mul3A_45 = arith.constant 2 : i32
      %mul3A_46 = arith.muli %mul3A_45, %scan3A_44 : i32
      %dma_wait3A_47 = arith.constant 0 : i32
      %dma_wait3A_48 = tpu.memref_slice %arg7[%mul3A_46, %dma_wait3A_47] : memref<250x80xi32, #tpu.memory_space<vmem>> -> memref<1x80xi32, #tpu.memory_space<vmem>>
      %dma_wait3A_49 = tpu.memref_squeeze %dma_wait3A_48 : memref<1x80xi32, #tpu.memory_space<vmem>> -> memref<80xi32, #tpu.memory_space<vmem>>
      %dma_wait3A_50 = arith.constant 0 : i32
      %dma_wait3A_51 = arith.constant 0 : i32
      %dma_wait3A_52 = tpu.memref_slice %arg2[%dma_wait3A_50, %dma_wait3A_51] : memref<20000x64xf32, #tpu.memory_space<hbm>> -> memref<20000x64xf32, #tpu.memory_space<hbm>>
      tpu.wait_indirect_dma semaphore(%arg11 : memref<!tpu.dma_semaphore, #tpu.memory_space<semaphore_mem>>) src(%dma_wait3A_52 : memref<20000x64xf32, #tpu.memory_space<hbm>>) dst(%arg9 : memref<80x64xf32, #tpu.memory_space<vmem>>)
      "tpu.region"() ({
        %run_scoped3A_78 = tpu.sem_alloc : memref<!tpu.dma_semaphore, #tpu.memory_space<semaphore_mem>>
        %dma_start3A_79 = arith.constant 0 : i32
        %dma_start3A_80 = tpu.memref_slice %arg8[%mul3A_46, %dma_start3A_79] : memref<250x80xi32, #tpu.memory_space<vmem>> -> memref<1x80xi32, #tpu.memory_space<vmem>>
        %dma_start3A_81 = tpu.memref_squeeze %dma_start3A_80 : memref<1x80xi32, #tpu.memory_space<vmem>> -> memref<80xi32, #tpu.memory_space<vmem>>
        %dma_start3A_82 = arith.constant 0 : i32
        %dma_start3A_83 = arith.constant 0 : i32
        %dma_start3A_84 = tpu.memref_slice %arg15[%dma_start3A_82, %dma_start3A_83] : memref<10240x64xf32, #tpu.memory_space<vmem_shared>> -> memref<10240x64xf32, #tpu.memory_space<vmem_shared>>
        tpu.enqueue_indirect_dma source(%arg9 : memref<80x64xf32, #tpu.memory_space<vmem>>) target(%dma_start3A_84 : memref<10240x64xf32, #tpu.memory_space<vmem_shared>>) offsets(%dma_start3A_81 : memref<80xi32, #tpu.memory_space<vmem>>) semaphore(%run_scoped3A_78 : memref<!tpu.dma_semaphore, #tpu.memory_space<semaphore_mem>>) {add = true}
        %dma_wait3A_85 = arith.constant 0 : i32
        %dma_wait3A_86 = tpu.memref_slice %arg8[%mul3A_46, %dma_wait3A_85] : memref<250x80xi32, #tpu.memory_space<vmem>> -> memref<1x80xi32, #tpu.memory_space<vmem>>
        %dma_wait3A_87 = tpu.memref_squeeze %dma_wait3A_86 : memref<1x80xi32, #tpu.memory_space<vmem>> -> memref<80xi32, #tpu.memory_space<vmem>>
        %dma_wait3A_88 = arith.constant 0 : i32
        %dma_wait3A_89 = arith.constant 0 : i32
        %dma_wait3A_90 = tpu.memref_slice %arg15[%dma_wait3A_88, %dma_wait3A_89] : memref<10240x64xf32, #tpu.memory_space<vmem_shared>> -> memref<10240x64xf32, #tpu.memory_space<vmem_shared>>
        tpu.wait_indirect_dma semaphore(%run_scoped3A_78 : memref<!tpu.dma_semaphore, #tpu.memory_space<semaphore_mem>>) src(%arg9 : memref<80x64xf32, #tpu.memory_space<vmem>>) dst(%dma_wait3A_90 : memref<10240x64xf32, #tpu.memory_space<vmem_shared>>)
        tpu.yield
      }) : () -> ()
      %add3A = arith.constant 2 : i32
      %add3A_53 = arith.addi %mul3A_46, %add3A : i32
      %dma_start3A_54 = arith.constant 0 : i32
      %dma_start3A_55 = tpu.memref_slice %arg7[%add3A_53, %dma_start3A_54] : memref<250x80xi32, #tpu.memory_space<vmem>> -> memref<1x80xi32, #tpu.memory_space<vmem>>
      %dma_start3A_56 = tpu.memref_squeeze %dma_start3A_55 : memref<1x80xi32, #tpu.memory_space<vmem>> -> memref<80xi32, #tpu.memory_space<vmem>>
      %dma_start3A_57 = arith.constant 0 : i32
      %dma_start3A_58 = arith.constant 0 : i32
      %dma_start3A_59 = tpu.memref_slice %arg2[%dma_start3A_57, %dma_start3A_58] : memref<20000x64xf32, #tpu.memory_space<hbm>> -> memref<20000x64xf32, #tpu.memory_space<hbm>>
      tpu.enqueue_indirect_dma source(%dma_start3A_59 : memref<20000x64xf32, #tpu.memory_space<hbm>>) target(%arg9 : memref<80x64xf32, #tpu.memory_space<vmem>>) offsets(%dma_start3A_56 : memref<80xi32, #tpu.memory_space<vmem>>) semaphore(%arg11 : memref<!tpu.dma_semaphore, #tpu.memory_space<semaphore_mem>>)
      %add3A_60 = arith.constant 1 : i32
      %add3A_61 = arith.addi %mul3A_46, %add3A_60 : i32
      %dma_wait3A_62 = arith.constant 0 : i32
      %dma_wait3A_63 = tpu.memref_slice %arg7[%add3A_61, %dma_wait3A_62] : memref<250x80xi32, #tpu.memory_space<vmem>> -> memref<1x80xi32, #tpu.memory_space<vmem>>
      %dma_wait3A_64 = tpu.memref_squeeze %dma_wait3A_63 : memref<1x80xi32, #tpu.memory_space<vmem>> -> memref<80xi32, #tpu.memory_space<vmem>>
      %dma_wait3A_65 = arith.constant 0 : i32
      %dma_wait3A_66 = arith.constant 0 : i32
      %dma_wait3A_67 = tpu.memref_slice %arg2[%dma_wait3A_65, %dma_wait3A_66] : memref<20000x64xf32, #tpu.memory_space<hbm>> -> memref<20000x64xf32, #tpu.memory_space<hbm>>
      tpu.wait_indirect_dma semaphore(%arg12 : memref<!tpu.dma_semaphore, #tpu.memory_space<semaphore_mem>>) src(%dma_wait3A_67 : memref<20000x64xf32, #tpu.memory_space<hbm>>) dst(%arg10 : memref<80x64xf32, #tpu.memory_space<vmem>>)
      %add3A_68 = arith.constant 1 : i32
      %add3A_69 = arith.addi %mul3A_46, %add3A_68 : i32
      "tpu.region"() ({
        %run_scoped3A_78 = tpu.sem_alloc : memref<!tpu.dma_semaphore, #tpu.memory_space<semaphore_mem>>
        %dma_start3A_79 = arith.constant 0 : i32
        %dma_start3A_80 = tpu.memref_slice %arg8[%add3A_69, %dma_start3A_79] : memref<250x80xi32, #tpu.memory_space<vmem>> -> memref<1x80xi32, #tpu.memory_space<vmem>>
        %dma_start3A_81 = tpu.memref_squeeze %dma_start3A_80 : memref<1x80xi32, #tpu.memory_space<vmem>> -> memref<80xi32, #tpu.memory_space<vmem>>
        %dma_start3A_82 = arith.constant 0 : i32
        %dma_start3A_83 = arith.constant 0 : i32
        %dma_start3A_84 = tpu.memref_slice %arg15[%dma_start3A_82, %dma_start3A_83] : memref<10240x64xf32, #tpu.memory_space<vmem_shared>> -> memref<10240x64xf32, #tpu.memory_space<vmem_shared>>
        tpu.enqueue_indirect_dma source(%arg10 : memref<80x64xf32, #tpu.memory_space<vmem>>) target(%dma_start3A_84 : memref<10240x64xf32, #tpu.memory_space<vmem_shared>>) offsets(%dma_start3A_81 : memref<80xi32, #tpu.memory_space<vmem>>) semaphore(%run_scoped3A_78 : memref<!tpu.dma_semaphore, #tpu.memory_space<semaphore_mem>>) {add = true}
        %dma_wait3A_85 = arith.constant 0 : i32
        %dma_wait3A_86 = tpu.memref_slice %arg8[%add3A_69, %dma_wait3A_85] : memref<250x80xi32, #tpu.memory_space<vmem>> -> memref<1x80xi32, #tpu.memory_space<vmem>>
        %dma_wait3A_87 = tpu.memref_squeeze %dma_wait3A_86 : memref<1x80xi32, #tpu.memory_space<vmem>> -> memref<80xi32, #tpu.memory_space<vmem>>
        %dma_wait3A_88 = arith.constant 0 : i32
        %dma_wait3A_89 = arith.constant 0 : i32
        %dma_wait3A_90 = tpu.memref_slice %arg15[%dma_wait3A_88, %dma_wait3A_89] : memref<10240x64xf32, #tpu.memory_space<vmem_shared>> -> memref<10240x64xf32, #tpu.memory_space<vmem_shared>>
        tpu.wait_indirect_dma semaphore(%run_scoped3A_78 : memref<!tpu.dma_semaphore, #tpu.memory_space<semaphore_mem>>) src(%arg10 : memref<80x64xf32, #tpu.memory_space<vmem>>) dst(%dma_wait3A_90 : memref<10240x64xf32, #tpu.memory_space<vmem_shared>>)
        tpu.yield
      }) : () -> ()
      %add3A_70 = arith.constant 3 : i32
      %add3A_71 = arith.addi %mul3A_46, %add3A_70 : i32
      %dma_start3A_72 = arith.constant 0 : i32
      %dma_start3A_73 = tpu.memref_slice %arg7[%add3A_71, %dma_start3A_72] : memref<250x80xi32, #tpu.memory_space<vmem>> -> memref<1x80xi32, #tpu.memory_space<vmem>>
      %dma_start3A_74 = tpu.memref_squeeze %dma_start3A_73 : memref<1x80xi32, #tpu.memory_space<vmem>> -> memref<80xi32, #tpu.memory_space<vmem>>
      %dma_start3A_75 = arith.constant 0 : i32
      %dma_start3A_76 = arith.constant 0 : i32
      %dma_start3A_77 = tpu.memref_slice %arg2[%dma_start3A_75, %dma_start3A_76] : memref<20000x64xf32, #tpu.memory_space<hbm>> -> memref<20000x64xf32, #tpu.memory_space<hbm>>
      tpu.enqueue_indirect_dma source(%dma_start3A_77 : memref<20000x64xf32, #tpu.memory_space<hbm>>) target(%arg10 : memref<80x64xf32, #tpu.memory_space<vmem>>) offsets(%dma_start3A_74 : memref<80xi32, #tpu.memory_space<vmem>>) semaphore(%arg12 : memref<!tpu.dma_semaphore, #tpu.memory_space<semaphore_mem>>)
    }
    %scan3A_24 = arith.constant 124 : i32
    %dma_wait3A = arith.constant 248 : i32
    %dma_wait3A_25 = arith.constant 0 : i32
    %dma_wait3A_26 = tpu.memref_slice %arg7[%dma_wait3A, %dma_wait3A_25] : memref<250x80xi32, #tpu.memory_space<vmem>> -> memref<1x80xi32, #tpu.memory_space<vmem>>
    %dma_wait3A_27 = tpu.memref_squeeze %dma_wait3A_26 : memref<1x80xi32, #tpu.memory_space<vmem>> -> memref<80xi32, #tpu.memory_space<vmem>>
    %dma_wait3A_28 = arith.constant 0 : i32
    %dma_wait3A_29 = arith.constant 0 : i32
    %dma_wait3A_30 = tpu.memref_slice %arg2[%dma_wait3A_28, %dma_wait3A_29] : memref<20000x64xf32, #tpu.memory_space<hbm>> -> memref<20000x64xf32, #tpu.memory_space<hbm>>
    tpu.wait_indirect_dma semaphore(%arg11 : memref<!tpu.dma_semaphore, #tpu.memory_space<semaphore_mem>>) src(%dma_wait3A_30 : memref<20000x64xf32, #tpu.memory_space<hbm>>) dst(%arg9 : memref<80x64xf32, #tpu.memory_space<vmem>>)
    %run_scoped3A = arith.constant 248 : i32
    "tpu.region"() ({
      %run_scoped3A_44 = tpu.sem_alloc : memref<!tpu.dma_semaphore, #tpu.memory_space<semaphore_mem>>
      %dma_start3A_45 = arith.constant 0 : i32
      %dma_start3A_46 = tpu.memref_slice %arg8[%run_scoped3A, %dma_start3A_45] : memref<250x80xi32, #tpu.memory_space<vmem>> -> memref<1x80xi32, #tpu.memory_space<vmem>>
      %dma_start3A_47 = tpu.memref_squeeze %dma_start3A_46 : memref<1x80xi32, #tpu.memory_space<vmem>> -> memref<80xi32, #tpu.memory_space<vmem>>
      %dma_start3A_48 = arith.constant 0 : i32
      %dma_start3A_49 = arith.constant 0 : i32
      %dma_start3A_50 = tpu.memref_slice %arg15[%dma_start3A_48, %dma_start3A_49] : memref<10240x64xf32, #tpu.memory_space<vmem_shared>> -> memref<10240x64xf32, #tpu.memory_space<vmem_shared>>
      tpu.enqueue_indirect_dma source(%arg9 : memref<80x64xf32, #tpu.memory_space<vmem>>) target(%dma_start3A_50 : memref<10240x64xf32, #tpu.memory_space<vmem_shared>>) offsets(%dma_start3A_47 : memref<80xi32, #tpu.memory_space<vmem>>) semaphore(%run_scoped3A_44 : memref<!tpu.dma_semaphore, #tpu.memory_space<semaphore_mem>>) {add = true}
      %dma_wait3A_51 = arith.constant 0 : i32
      %dma_wait3A_52 = tpu.memref_slice %arg8[%run_scoped3A, %dma_wait3A_51] : memref<250x80xi32, #tpu.memory_space<vmem>> -> memref<1x80xi32, #tpu.memory_space<vmem>>
      %dma_wait3A_53 = tpu.memref_squeeze %dma_wait3A_52 : memref<1x80xi32, #tpu.memory_space<vmem>> -> memref<80xi32, #tpu.memory_space<vmem>>
      %dma_wait3A_54 = arith.constant 0 : i32
      %dma_wait3A_55 = arith.constant 0 : i32
      %dma_wait3A_56 = tpu.memref_slice %arg15[%dma_wait3A_54, %dma_wait3A_55] : memref<10240x64xf32, #tpu.memory_space<vmem_shared>> -> memref<10240x64xf32, #tpu.memory_space<vmem_shared>>
      tpu.wait_indirect_dma semaphore(%run_scoped3A_44 : memref<!tpu.dma_semaphore, #tpu.memory_space<semaphore_mem>>) src(%arg9 : memref<80x64xf32, #tpu.memory_space<vmem>>) dst(%dma_wait3A_56 : memref<10240x64xf32, #tpu.memory_space<vmem_shared>>)
      tpu.yield
    }) : () -> ()
    %dma_wait3A_31 = arith.constant 249 : i32
    %dma_wait3A_32 = arith.constant 0 : i32
    %dma_wait3A_33 = tpu.memref_slice %arg7[%dma_wait3A_31, %dma_wait3A_32] : memref<250x80xi32, #tpu.memory_space<vmem>> -> memref<1x80xi32, #tpu.memory_space<vmem>>
    %dma_wait3A_34 = tpu.memref_squeeze %dma_wait3A_33 : memref<1x80xi32, #tpu.memory_space<vmem>> -> memref<80xi32, #tpu.memory_space<vmem>>
    %dma_wait3A_35 = arith.constant 0 : i32
    %dma_wait3A_36 = arith.constant 0 : i32
    %dma_wait3A_37 = tpu.memref_slice %arg2[%dma_wait3A_35, %dma_wait3A_36] : memref<20000x64xf32, #tpu.memory_space<hbm>> -> memref<20000x64xf32, #tpu.memory_space<hbm>>
    tpu.wait_indirect_dma semaphore(%arg12 : memref<!tpu.dma_semaphore, #tpu.memory_space<semaphore_mem>>) src(%dma_wait3A_37 : memref<20000x64xf32, #tpu.memory_space<hbm>>) dst(%arg10 : memref<80x64xf32, #tpu.memory_space<vmem>>)
    %run_scoped3A_38 = arith.constant 249 : i32
    "tpu.region"() ({
      %run_scoped3A_44 = tpu.sem_alloc : memref<!tpu.dma_semaphore, #tpu.memory_space<semaphore_mem>>
      %dma_start3A_45 = arith.constant 0 : i32
      %dma_start3A_46 = tpu.memref_slice %arg8[%run_scoped3A_38, %dma_start3A_45] : memref<250x80xi32, #tpu.memory_space<vmem>> -> memref<1x80xi32, #tpu.memory_space<vmem>>
      %dma_start3A_47 = tpu.memref_squeeze %dma_start3A_46 : memref<1x80xi32, #tpu.memory_space<vmem>> -> memref<80xi32, #tpu.memory_space<vmem>>
      %dma_start3A_48 = arith.constant 0 : i32
      %dma_start3A_49 = arith.constant 0 : i32
      %dma_start3A_50 = tpu.memref_slice %arg15[%dma_start3A_48, %dma_start3A_49] : memref<10240x64xf32, #tpu.memory_space<vmem_shared>> -> memref<10240x64xf32, #tpu.memory_space<vmem_shared>>
      tpu.enqueue_indirect_dma source(%arg10 : memref<80x64xf32, #tpu.memory_space<vmem>>) target(%dma_start3A_50 : memref<10240x64xf32, #tpu.memory_space<vmem_shared>>) offsets(%dma_start3A_47 : memref<80xi32, #tpu.memory_space<vmem>>) semaphore(%run_scoped3A_44 : memref<!tpu.dma_semaphore, #tpu.memory_space<semaphore_mem>>) {add = true}
      %dma_wait3A_51 = arith.constant 0 : i32
      %dma_wait3A_52 = tpu.memref_slice %arg8[%run_scoped3A_38, %dma_wait3A_51] : memref<250x80xi32, #tpu.memory_space<vmem>> -> memref<1x80xi32, #tpu.memory_space<vmem>>
      %dma_wait3A_53 = tpu.memref_squeeze %dma_wait3A_52 : memref<1x80xi32, #tpu.memory_space<vmem>> -> memref<80xi32, #tpu.memory_space<vmem>>
      %dma_wait3A_54 = arith.constant 0 : i32
      %dma_wait3A_55 = arith.constant 0 : i32
      %dma_wait3A_56 = tpu.memref_slice %arg15[%dma_wait3A_54, %dma_wait3A_55] : memref<10240x64xf32, #tpu.memory_space<vmem_shared>> -> memref<10240x64xf32, #tpu.memory_space<vmem_shared>>
      tpu.wait_indirect_dma semaphore(%run_scoped3A_44 : memref<!tpu.dma_semaphore, #tpu.memory_space<semaphore_mem>>) src(%arg10 : memref<80x64xf32, #tpu.memory_space<vmem>>) dst(%dma_wait3A_56 : memref<10240x64xf32, #tpu.memory_space<vmem_shared>>)
      tpu.yield
    }) : () -> ()
    %barrier3A_39 = arith.constant 0 : index
    tpu.barrier barrier_id(%barrier3A_39)
    %mul3A_40 = arith.constant 640 : i32
    %mul3A_41 = arith.muli %arg1, %mul3A_40 : i32
    %mul3A_42 = arith.constant 640 : i32
    %mul3A_43 = arith.muli %arg1, %mul3A_42 : i32
    "tpu.region"() ({
      %run_scoped3A_44 = tpu.sem_alloc : memref<!tpu.dma_semaphore, #tpu.memory_space<semaphore_mem>>
      %dma_start3A_45 = arith.constant 0 : i32
      %dma_start3A_46 = tpu.memref_slice %arg6[%arg0, %mul3A_43, %dma_start3A_45] : memref<2x10240x64xf32, #tpu.memory_space<hbm>> -> memref<1x640x64xf32, #tpu.memory_space<hbm>>
      %dma_start3A_47 = tpu.memref_squeeze %dma_start3A_46 : memref<1x640x64xf32, #tpu.memory_space<hbm>> -> memref<640x64xf32, #tpu.memory_space<hbm>>
      %dma_start3A_48 = arith.constant 0 : i32
      %dma_start3A_49 = tpu.memref_slice %arg15[%mul3A_41, %dma_start3A_48] : memref<10240x64xf32, #tpu.memory_space<vmem_shared>> -> memref<640x64xf32, #tpu.memory_space<vmem_shared>>
      tpu.enqueue_dma source(%dma_start3A_49 : memref<640x64xf32, #tpu.memory_space<vmem_shared>>) target(%dma_start3A_47 : memref<640x64xf32, #tpu.memory_space<hbm>>) target_semaphore(%run_scoped3A_44 : memref<!tpu.dma_semaphore, #tpu.memory_space<semaphore_mem>>)
      %dma_wait3A_50 = arith.constant 0 : i32
      %dma_wait3A_51 = tpu.memref_slice %arg6[%arg0, %mul3A_43, %dma_wait3A_50] : memref<2x10240x64xf32, #tpu.memory_space<hbm>> -> memref<1x640x64xf32, #tpu.memory_space<hbm>>
      %dma_wait3A_52 = tpu.memref_squeeze %dma_wait3A_51 : memref<1x640x64xf32, #tpu.memory_space<hbm>> -> memref<640x64xf32, #tpu.memory_space<hbm>>
      %dma_wait3A_53 = arith.constant 0 : i32
      %dma_wait3A_54 = tpu.memref_slice %arg15[%mul3A_41, %dma_wait3A_53] : memref<10240x64xf32, #tpu.memory_space<vmem_shared>> -> memref<640x64xf32, #tpu.memory_space<vmem_shared>>
      tpu.wait_dma2 semaphore(%run_scoped3A_44 : memref<!tpu.dma_semaphore, #tpu.memory_space<semaphore_mem>>) src(%dma_wait3A_54 : memref<640x64xf32, #tpu.memory_space<vmem_shared>>) dst(%dma_wait3A_52 : memref<640x64xf32, #tpu.memory_space<hbm>>)
      tpu.yield
    }) : () -> ()
    return
  }
}

module attributes {stable_mosaic.version = 14 : i64} {
  func.func @body(%arg0: i32, %arg1: memref<1000x128xf32, #tpu.memory_space<vmem>>, %arg2: memref<128x128xf32, #tpu.memory_space<vmem>>, %arg3: memref<1000x2xf32, #tpu.memory_space<vmem>>, %arg4: memref<1000x128xf32, #tpu.memory_space<vmem>>, %arg5: memref<1000x1xf32, #tpu.memory_space<vmem>>) attributes {dimension_semantics = [#tpu.dimension_semantics<arbitrary>], iteration_bounds = array<i64: 10>, scalar_prefetch = 0 : i64, scratch_operands = 0 : i64, tpu.core_type = #tpu.core_type<tc>, window_params = [{transform_indices = @transform_0, window_bounds = array<i64: 1000, 128>}, {pipeline_mode = #tpu.pipeline_mode<synchronous>, transform_indices = @transform_1, window_bounds = array<i64: 128, 128>}, {transform_indices = @transform_2, window_bounds = array<i64: 1000, 2>}, {transform_indices = @transform_3, window_bounds = array<i64: 1000, 128>}, {transform_indices = @transform_4, window_bounds = array<i64: 1000, 1>}]} {
    %get3A = arith.constant 0 : index
    %get3A_0 = arith.constant 0 : index
    %get3A_1 = vector.load %arg3[%get3A, %get3A_0] : memref<1000x2xf32, #tpu.memory_space<vmem>>, vector<1000x1xf32>
    %get3A_2 = arith.constant 0 : index
    %get3A_3 = arith.constant 1 : index
    %get3A_4 = vector.load %arg3[%get3A_2, %get3A_3] : memref<1000x2xf32, #tpu.memory_space<vmem>>, vector<1000x1xf32>
    %add3A = arith.addf %get3A_1, %get3A_4 : vector<1000x1xf32>
    %add3A_5 = arith.constant 1.000000e+00 : f32
    %add3A_6 = vector.broadcast %add3A_5 : f32 to vector<1000x1xf32>
    %add3A_7 = arith.addf %add3A, %add3A_6 : vector<1000x1xf32>
    %rsqrt3A = math.rsqrt %add3A_7 : vector<1000x1xf32>
    %swap3A = arith.constant 0 : index
    %swap3A_8 = arith.constant 0 : index
    %swap3A_9 = vector.load %arg5[%swap3A, %swap3A_8] : memref<1000x1xf32, #tpu.memory_space<vmem>>, vector<1000x1xf32>
    tpu.vector_store %arg5[%swap3A, %swap3A_8], %rsqrt3A {strides = array<i32>} : memref<1000x1xf32, #tpu.memory_space<vmem>>, vector<1000x1xf32>,
    %get3A_10 = arith.constant 0 : index
    %get3A_11 = arith.constant 0 : index
    %get3A_12 = vector.load %arg1[%get3A_10, %get3A_11] : memref<1000x128xf32, #tpu.memory_space<vmem>>, vector<1000x128xf32>
    %get3A_13 = arith.constant 0 : index
    %get3A_14 = arith.constant 0 : index
    %get3A_15 = vector.load %arg2[%get3A_13, %get3A_14] : memref<128x128xf32, #tpu.memory_space<vmem>>, vector<128x128xf32>
    %dot_general3A = arith.constant dense<0.000000e+00> : vector<1000x128xf32>
    %dot_general3A_16 = tpu.matmul %get3A_12, %get3A_15, %dot_general3A {dimension_numbers = #tpu.dot_dimension_numbers<[1], [0], [0], [1], [0, 0, 1, 1], [], []>, transpose_lhs_hint = false} : vector<1000x128xf32>, vector<128x128xf32>, vector<1000x128xf32> -> vector<1000x128xf32>
    %mul3A = vector.broadcast %rsqrt3A : vector<1000x1xf32> to vector<1000x128xf32>
    %mul3A_17 = arith.mulf %dot_general3A_16, %mul3A : vector<1000x128xf32>
    %swap3A_18 = arith.constant 0 : index
    %swap3A_19 = arith.constant 0 : index
    %swap3A_20 = vector.load %arg4[%swap3A_18, %swap3A_19] : memref<1000x128xf32, #tpu.memory_space<vmem>>, vector<1000x128xf32>
    tpu.vector_store %arg4[%swap3A_18, %swap3A_19], %mul3A_17 {strides = array<i32>} : memref<1000x128xf32, #tpu.memory_space<vmem>>, vector<1000x128xf32>,
    return
  }
  func.func @transform_0(%arg0: i32) -> (i32, i32) {
    %c0_i32 = arith.constant 0 : i32
    %c0_i32_0 = arith.constant 0 : i32
    return %arg0, %c0_i32 : i32, i32
  }
  func.func @transform_1(%arg0: i32) -> (i32, i32) {
    %c0_i32 = arith.constant 0 : i32
    %c0_i32_0 = arith.constant 0 : i32
    %c0_i32_1 = arith.constant 0 : i32
    return %c0_i32, %c0_i32_0 : i32, i32
  }
  func.func @transform_2(%arg0: i32) -> (i32, i32) {
    %c0_i32 = arith.constant 0 : i32
    %c0_i32_0 = arith.constant 0 : i32
    return %arg0, %c0_i32 : i32, i32
  }
  func.func @transform_3(%arg0: i32) -> (i32, i32) {
    %c0_i32 = arith.constant 0 : i32
    %c0_i32_0 = arith.constant 0 : i32
    return %arg0, %c0_i32 : i32, i32
  }
  func.func @transform_4(%arg0: i32) -> (i32, i32) {
    %c0_i32 = arith.constant 0 : i32
    %c0_i32_0 = arith.constant 0 : i32
    return %arg0, %c0_i32 : i32, i32
  }
}

module attributes {stable_mosaic.version = 14 : i64} {
  func.func @body(%arg0: i32, %arg1: memref<2x2000x64xf32, #tpu.memory_space<vmem>>, %arg2: memref<2000x128xf32, #tpu.memory_space<vmem>>, %arg3: memref<2000x1xf32, #tpu.memory_space<vmem>>, %arg4: memref<2000x128xf32, #tpu.memory_space<vmem>>, %arg5: memref<2000x1xf32, #tpu.memory_space<vmem>>, %arg6: memref<200x2000xf32, #tpu.memory_space<vmem>>, %arg7: memref<1x128xf32, #tpu.memory_space<vmem>>, %arg8: memref<128x32xf32, #tpu.memory_space<vmem>>, %arg9: memref<1x32xf32, #tpu.memory_space<vmem>>, %arg10: memref<1x32xf32, #tpu.memory_space<vmem>>, %arg11: memref<32x32xf32, #tpu.memory_space<vmem>>, %arg12: memref<1x32xf32, #tpu.memory_space<vmem>>, %arg13: memref<32x1xf32, #tpu.memory_space<vmem>>, %arg14: memref<1x1xf32, #tpu.memory_space<vmem>>, %arg15: memref<200x1xf32, #tpu.memory_space<vmem>>) attributes {dimension_semantics = [#tpu.dimension_semantics<arbitrary>], iteration_bounds = array<i64: 5>, scalar_prefetch = 0 : i64, scratch_operands = 0 : i64, tpu.core_type = #tpu.core_type<tc>, window_params = [{transform_indices = @transform_0, window_bounds = array<i64: 2, 2000, 64>}, {transform_indices = @transform_1, window_bounds = array<i64: 2000, 128>}, {transform_indices = @transform_2, window_bounds = array<i64: 2000, 1>}, {transform_indices = @transform_3, window_bounds = array<i64: 2000, 128>}, {transform_indices = @transform_4, window_bounds = array<i64: 2000, 1>}, {pipeline_mode = #tpu.pipeline_mode<synchronous>, transform_indices = @transform_5, window_bounds = array<i64: 200, 2000>}, {pipeline_mode = #tpu.pipeline_mode<synchronous>, transform_indices = @transform_6, window_bounds = array<i64: 1, 128>}, {pipeline_mode = #tpu.pipeline_mode<synchronous>, transform_indices = @transform_7, window_bounds = array<i64: 128, 32>}, {pipeline_mode = #tpu.pipeline_mode<synchronous>, transform_indices = @transform_8, window_bounds = array<i64: 1, 32>}, {pipeline_mode = #tpu.pipeline_mode<synchronous>, transform_indices = @transform_9, window_bounds = array<i64: 1, 32>}, {pipeline_mode = #tpu.pipeline_mode<synchronous>, transform_indices = @transform_10, window_bounds = array<i64: 32, 32>}, {pipeline_mode = #tpu.pipeline_mode<synchronous>, transform_indices = @transform_11, window_bounds = array<i64: 1, 32>}, {pipeline_mode = #tpu.pipeline_mode<synchronous>, transform_indices = @transform_12, window_bounds = array<i64: 32, 1>}, {pipeline_mode = #tpu.pipeline_mode<synchronous>, transform_indices = @transform_13, window_bounds = array<i64: 1, 1>}, {transform_indices = @transform_14, window_bounds = array<i64: 200, 1>}]} {
    %get3A = arith.constant 0 : index
    %get3A_0 = arith.constant 0 : index
    %get3A_1 = arith.constant 0 : index
    %get3A_2 = vector.load %arg1[%get3A, %get3A_0, %get3A_1] : memref<2x2000x64xf32, #tpu.memory_space<vmem>>, vector<1x2000x64xf32>
    %get3A_3 = vector.shape_cast %get3A_2 : vector<1x2000x64xf32> to vector<2000x64xf32>
    %get3A_4 = arith.constant 1 : index
    %get3A_5 = arith.constant 0 : index
    %get3A_6 = arith.constant 0 : index
    %get3A_7 = vector.load %arg1[%get3A_4, %get3A_5, %get3A_6] : memref<2x2000x64xf32, #tpu.memory_space<vmem>>, vector<1x2000x64xf32>
    %get3A_8 = vector.shape_cast %get3A_7 : vector<1x2000x64xf32> to vector<2000x64xf32>
    %concatenate3A = tpu.concatenate %get3A_3, %get3A_8 in 1 : vector<2000x64xf32>, vector<2000x64xf32> -> vector<2000x128xf32>
    %get3A_9 = arith.constant 0 : index
    %get3A_10 = arith.constant 0 : index
    %get3A_11 = vector.load %arg3[%get3A_9, %get3A_10] : memref<2000x1xf32, #tpu.memory_space<vmem>>, vector<2000x1xf32>
    %get3A_12 = arith.constant 0 : index
    %get3A_13 = arith.constant 0 : index
    %get3A_14 = vector.load %arg2[%get3A_12, %get3A_13] : memref<2000x128xf32, #tpu.memory_space<vmem>>, vector<2000x128xf32>
    %add3A = arith.addf %concatenate3A, %get3A_14 : vector<2000x128xf32>
    %mul3A = vector.broadcast %get3A_11 : vector<2000x1xf32> to vector<2000x128xf32>
    %mul3A_15 = arith.mulf %mul3A, %add3A : vector<2000x128xf32>
    %get3A_16 = arith.constant 0 : index
    %get3A_17 = arith.constant 0 : index
    %get3A_18 = vector.load %arg7[%get3A_16, %get3A_17] : memref<1x128xf32, #tpu.memory_space<vmem>>, vector<1x128xf32>
    %add3A_19 = vector.broadcast %get3A_18 : vector<1x128xf32> to vector<2000x128xf32>
    %add3A_20 = arith.addf %mul3A_15, %add3A_19 : vector<2000x128xf32>
    %max3A = arith.constant 0.000000e+00 : f32
    %max3A_21 = vector.broadcast %max3A : f32 to vector<2000x128xf32>
    %max3A_22 = arith.maximumf %add3A_20, %max3A_21 : vector<2000x128xf32>
    %get3A_23 = arith.constant 0 : index
    %get3A_24 = arith.constant 0 : index
    %get3A_25 = vector.load %arg4[%get3A_23, %get3A_24] : memref<2000x128xf32, #tpu.memory_space<vmem>>, vector<2000x128xf32>
    %add3A_26 = arith.addf %max3A_22, %get3A_25 : vector<2000x128xf32>
    %get3A_27 = arith.constant 0 : index
    %get3A_28 = arith.constant 0 : index
    %get3A_29 = vector.load %arg8[%get3A_27, %get3A_28] : memref<128x32xf32, #tpu.memory_space<vmem>>, vector<128x32xf32>
    %dot_general3A = arith.constant dense<0.000000e+00> : vector<2000x32xf32>
    %dot_general3A_30 = tpu.matmul %add3A_26, %get3A_29, %dot_general3A {dimension_numbers = #tpu.dot_dimension_numbers<[1], [0], [0], [1], [0, 0, 1, 1], [], []>, transpose_lhs_hint = false} : vector<2000x128xf32>, vector<128x32xf32>, vector<2000x32xf32> -> vector<2000x32xf32>
    %get3A_31 = arith.constant 0 : index
    %get3A_32 = arith.constant 0 : index
    %get3A_33 = vector.load %arg5[%get3A_31, %get3A_32] : memref<2000x1xf32, #tpu.memory_space<vmem>>, vector<2000x1xf32>
    %get3A_34 = arith.constant 0 : index
    %get3A_35 = arith.constant 0 : index
    %get3A_36 = vector.load %arg9[%get3A_34, %get3A_35] : memref<1x32xf32, #tpu.memory_space<vmem>>, vector<1x32xf32>
    %mul3A_37 = vector.broadcast %get3A_33 : vector<2000x1xf32> to vector<2000x32xf32>
    %mul3A_38 = vector.broadcast %get3A_36 : vector<1x32xf32> to vector<2000x32xf32>
    %mul3A_39 = arith.mulf %mul3A_37, %mul3A_38 : vector<2000x32xf32>
    %add3A_40 = arith.addf %dot_general3A_30, %mul3A_39 : vector<2000x32xf32>
    %get3A_41 = arith.constant 0 : index
    %get3A_42 = arith.constant 0 : index
    %get3A_43 = vector.load %arg10[%get3A_41, %get3A_42] : memref<1x32xf32, #tpu.memory_space<vmem>>, vector<1x32xf32>
    %add3A_44 = vector.broadcast %get3A_43 : vector<1x32xf32> to vector<2000x32xf32>
    %add3A_45 = arith.addf %add3A_40, %add3A_44 : vector<2000x32xf32>
    %max3A_46 = arith.constant 0.000000e+00 : f32
    %max3A_47 = vector.broadcast %max3A_46 : f32 to vector<2000x32xf32>
    %max3A_48 = arith.maximumf %add3A_45, %max3A_47 : vector<2000x32xf32>
    %get3A_49 = arith.constant 0 : index
    %get3A_50 = arith.constant 0 : index
    %get3A_51 = vector.load %arg11[%get3A_49, %get3A_50] : memref<32x32xf32, #tpu.memory_space<vmem>>, vector<32x32xf32>
    %dot_general3A_52 = arith.constant dense<0.000000e+00> : vector<2000x32xf32>
    %dot_general3A_53 = tpu.matmul %max3A_48, %get3A_51, %dot_general3A_52 {dimension_numbers = #tpu.dot_dimension_numbers<[1], [0], [0], [1], [0, 0, 1, 1], [], []>, transpose_lhs_hint = false} : vector<2000x32xf32>, vector<32x32xf32>, vector<2000x32xf32> -> vector<2000x32xf32>
    %get3A_54 = arith.constant 0 : index
    %get3A_55 = arith.constant 0 : index
    %get3A_56 = vector.load %arg12[%get3A_54, %get3A_55] : memref<1x32xf32, #tpu.memory_space<vmem>>, vector<1x32xf32>
    %add3A_57 = vector.broadcast %get3A_56 : vector<1x32xf32> to vector<2000x32xf32>
    %add3A_58 = arith.addf %dot_general3A_53, %add3A_57 : vector<2000x32xf32>
    %max3A_59 = arith.constant 0.000000e+00 : f32
    %max3A_60 = vector.broadcast %max3A_59 : f32 to vector<2000x32xf32>
    %max3A_61 = arith.maximumf %add3A_58, %max3A_60 : vector<2000x32xf32>
    %get3A_62 = arith.constant 0 : index
    %get3A_63 = arith.constant 0 : index
    %get3A_64 = vector.load %arg6[%get3A_62, %get3A_63] : memref<200x2000xf32, #tpu.memory_space<vmem>>, vector<200x2000xf32>
    %dot_general3A_65 = arith.constant dense<0.000000e+00> : vector<200x32xf32>
    %dot_general3A_66 = tpu.matmul %get3A_64, %max3A_61, %dot_general3A_65 {dimension_numbers = #tpu.dot_dimension_numbers<[1], [0], [0], [1], [0, 0, 1, 1], [], []>, transpose_lhs_hint = false} : vector<200x2000xf32>, vector<2000x32xf32>, vector<200x32xf32> -> vector<200x32xf32>
    %get3A_67 = arith.constant 0 : index
    %get3A_68 = arith.constant 0 : index
    %get3A_69 = vector.load %arg13[%get3A_67, %get3A_68] : memref<32x1xf32, #tpu.memory_space<vmem>>, vector<32x1xf32>
    %dot_general3A_70 = arith.constant dense<0.000000e+00> : vector<200x1xf32>
    %dot_general3A_71 = tpu.matmul %dot_general3A_66, %get3A_69, %dot_general3A_70 {dimension_numbers = #tpu.dot_dimension_numbers<[1], [0], [0], [1], [0, 0, 1, 1], [], []>, transpose_lhs_hint = false} : vector<200x32xf32>, vector<32x1xf32>, vector<200x1xf32> -> vector<200x1xf32>
    %get3A_72 = arith.constant 0 : index
    %get3A_73 = arith.constant 0 : index
    %get3A_74 = vector.load %arg14[%get3A_72, %get3A_73] : memref<1x1xf32, #tpu.memory_space<vmem>>, vector<1x1xf32>
    %add3A_75 = vector.broadcast %get3A_74 : vector<1x1xf32> to vector<200x1xf32>
    %add3A_76 = arith.addf %dot_general3A_71, %add3A_75 : vector<200x1xf32>
    %swap3A = arith.constant 0 : index
    %swap3A_77 = arith.constant 0 : index
    %swap3A_78 = vector.load %arg15[%swap3A, %swap3A_77] : memref<200x1xf32, #tpu.memory_space<vmem>>, vector<200x1xf32>
    tpu.vector_store %arg15[%swap3A, %swap3A_77], %add3A_76 {strides = array<i32>} : memref<200x1xf32, #tpu.memory_space<vmem>>, vector<200x1xf32>,
    return
  }
  func.func @transform_0(%arg0: i32) -> (i32, i32, i32) {
    %c0_i32 = arith.constant 0 : i32
    %c0_i32_0 = arith.constant 0 : i32
    %c0_i32_1 = arith.constant 0 : i32
    return %c0_i32, %arg0, %c0_i32_0 : i32, i32, i32
  }
  func.func @transform_1(%arg0: i32) -> (i32, i32) {
    %c0_i32 = arith.constant 0 : i32
    %c0_i32_0 = arith.constant 0 : i32
    return %arg0, %c0_i32 : i32, i32
  }
  func.func @transform_2(%arg0: i32) -> (i32, i32) {
    %c0_i32 = arith.constant 0 : i32
    %c0_i32_0 = arith.constant 0 : i32
    return %arg0, %c0_i32 : i32, i32
  }
  func.func @transform_3(%arg0: i32) -> (i32, i32) {
    %c0_i32 = arith.constant 0 : i32
    %c0_i32_0 = arith.constant 0 : i32
    return %arg0, %c0_i32 : i32, i32
  }
  func.func @transform_4(%arg0: i32) -> (i32, i32) {
    %c0_i32 = arith.constant 0 : i32
    %c0_i32_0 = arith.constant 0 : i32
    return %arg0, %c0_i32 : i32, i32
  }
  func.func @transform_5(%arg0: i32) -> (i32, i32) {
    %c0_i32 = arith.constant 0 : i32
    %c0_i32_0 = arith.constant 0 : i32
    %c0_i32_1 = arith.constant 0 : i32
    return %c0_i32, %c0_i32_0 : i32, i32
  }
  func.func @transform_6(%arg0: i32) -> (i32, i32) {
    %c0_i32 = arith.constant 0 : i32
    %c0_i32_0 = arith.constant 0 : i32
    %c0_i32_1 = arith.constant 0 : i32
    return %c0_i32, %c0_i32_0 : i32, i32
  }
  func.func @transform_7(%arg0: i32) -> (i32, i32) {
    %c0_i32 = arith.constant 0 : i32
    %c0_i32_0 = arith.constant 0 : i32
    %c0_i32_1 = arith.constant 0 : i32
    return %c0_i32, %c0_i32_0 : i32, i32
  }
  func.func @transform_8(%arg0: i32) -> (i32, i32) {
    %c0_i32 = arith.constant 0 : i32
    %c0_i32_0 = arith.constant 0 : i32
    %c0_i32_1 = arith.constant 0 : i32
    return %c0_i32, %c0_i32_0 : i32, i32
  }
  func.func @transform_9(%arg0: i32) -> (i32, i32) {
    %c0_i32 = arith.constant 0 : i32
    %c0_i32_0 = arith.constant 0 : i32
    %c0_i32_1 = arith.constant 0 : i32
    return %c0_i32, %c0_i32_0 : i32, i32
  }
  func.func @transform_10(%arg0: i32) -> (i32, i32) {
    %c0_i32 = arith.constant 0 : i32
    %c0_i32_0 = arith.constant 0 : i32
    %c0_i32_1 = arith.constant 0 : i32
    return %c0_i32, %c0_i32_0 : i32, i32
  }
  func.func @transform_11(%arg0: i32) -> (i32, i32) {
    %c0_i32 = arith.constant 0 : i32
    %c0_i32_0 = arith.constant 0 : i32
    %c0_i32_1 = arith.constant 0 : i32
    return %c0_i32, %c0_i32_0 : i32, i32
  }
  func.func @transform_12(%arg0: i32) -> (i32, i32) {
    %c0_i32 = arith.constant 0 : i32
    %c0_i32_0 = arith.constant 0 : i32
    %c0_i32_1 = arith.constant 0 : i32
    return %c0_i32, %c0_i32_0 : i32, i32
  }
  func.func @transform_13(%arg0: i32) -> (i32, i32) {
    %c0_i32 = arith.constant 0 : i32
    %c0_i32_0 = arith.constant 0 : i32
    %c0_i32_1 = arith.constant 0 : i32
    return %c0_i32, %c0_i32_0 : i32, i32
  }
  func.func @transform_14(%arg0: i32) -> (i32, i32) {
    %c0_i32 = arith.constant 0 : i32
    %c0_i32_0 = arith.constant 0 : i32
    return %arg0, %c0_i32 : i32, i32
  }
}

</mosaic_0001>

<sc_bundles>
// kernel: kernel.6.cloned.1.call-start
scs
__scs_entry_jumppad:
0x0: {  	(pc) =	sbr.rel $0x88, $3  }
0x1: {  	(tag) =	ssettag $0x0;
	lr =	simm.s32 $0x1  }
0x2: {  	[smem:$0x3F96] =	sst lr;
	_ =	strace $0xD0000000  }
0x3: {  	_ = 	snop  }
0x4: {  	_ = 	snop  }
0x5: {  	_ = 	snop  }
0x6: {  	_ = 	snop  }
0x7: {  	_ = 	snop  }
__scs_overlays_trampoline_lowered:
0x8: {  	[smem:$0x3FA5] =	sst s0  }
0x9: {  	[smem:$0x3FA6] =	sst s1  }
0xa: {  	[smem:$0x3FA7] =	sst s2  }
0xb: {  	[smem:$0x3FA8] =	sst s3  }
0xc: {  	[smem:$0x3FA9] =	sst s4  }
0xd: {  	[smem:$0x3FAA] =	sst s5  }
0xe: {  	[smem:$0x3FAB] =	sst s6  }
0xf: {  	[smem:$0x3FAC] =	sst s7  }
0x10: {  	[smem:$0x3FAD] =	sst s8  }
0x11: {  	[smem:$0x3FAE] =	sst s9;
	s0 =	simm.s32 @!p0 $0x0  }
0x12: {  	s1 =	sld [smem:$0x3F94];
	s0 =	simm.s32 @p0 $0x1  }
0x13: {  	[smem:$0x3FAF] =	sst s0;
	s0 =	simm.s32 @!p1 $0x0  }
0x14: {  	s2 =	sld [smem:$0x3F93];
	s0 =	simm.s32 @p1 $0x1  }
0x15: {  	[smem:$0x3FB0] =	sst s0;
	s0 =	simm.s32 @!p2 $0x0  }
0x16: {  	s3 =	sld [smem:$0x3FDB];
	s0 =	simm.s32 @p2 $0x1  }
0x17: {  	s4 =	simm.s32 $0x1BF5;
	[smem:$0x3FB2] =	sst s0  }
0x18: {  	s0 =	sld [smem:$0x3F95];
	_ =	swait.ge [sflag:s4], $0x0  }
0x19: {  	s7 =	sld [smem:$0x3F96]  }
0x1a: {  	s8 =	sadd.s32 $0xFFFFE003, lr  }
0x1b: {  	s9 =	sadd.s32 $0xFFFFFEF7, lr;
	s5 =	simm.s32 $0xFFFFFFFF;
	p2 =	slt.u32 s8, $0xFFFFF086  }
0x1c: {  	p1 =	slt.u32 s9, $0xF7A;
	s5 =	simm.s32 @!p2 $0x0  }
0x1d: {  	s5 =	simm.s32 @p1 $0x1;
	p0 =	seq.s32 s7, s2  }
0x1e: {  	s7 =	smul.u32 @!p0 $0xF7A, s2;
	p2 =	seq.s32 @!p0 s5, $0x0  }
0x1f: {  	s9 =	smul.u32 $0xF7A, s1;
	s8 =	simm.s32 @!p0 $0x1BF5;
	p2 =	por !p2, p0  }
0x20: {  	[sflag:s8] =	ssyncset.s32 @!p0 $0xFFFFF086;
	s6 =	sadd.s32 @!p0 s3, s7;
	s7 =	simm.s32 @!p0 $0x108  }
0x21: {  	s3 =	sadd.s32 s3, s9;
	s6 =	sadd.s32 @!p0 $0x88, s6;
	s7 =	simm.s32 @p2 $0x1082  }
0x22: {  	[simem:s7], [sflag:s8] =	dma.local @!p0 [hbm:s6], $0xF7A  }
0x23: {  	s9 =	sor.u32 $0xD0000000, s2;
	s6 =	simm.s32 $0x108;
	_ =	swait.ge @!p0 [sflag:s8], $0x0  }
0x24: {  	s3 =	sadd.s32 $0x88, s3;
	s6 =	simm.s32 @!p1 $0x1082;
	[sflag:s4] =	ssyncset.s32 $0xFFFFF086  }
0x25: {  	[simem:s6], [sflag:s4] =	dma.local [hbm:s3], $0xF7A  }
0x26: {  	[smem:$0x3F96] =	sst s1;
	(tag) =	ssettag s2;
	_ =	strace s9  }
0x27: {  	s1 =	sld [smem:$0x3FA6]  }
0x28: {  	s2 =	sld [smem:$0x3FA7]  }
0x29: {  	s4 =	sld [smem:$0x3FA9]  }
0x2a: {  	p0 =	seq.s32 s5, $0x0;
	s5 =	sld [smem:$0x3FAA]  }
0x2b: {  	s6 =	sld [smem:$0x3FAB]  }
0x2c: {  	s7 =	sld [smem:$0x3FAC]  }
0x2d: {  	s3 =	simm.s32 $0x108;
	s8 =	sld [smem:$0x3FAD]  }
0x2e: {  	s3 =	simm.s32 @!p0 $0x1082;
	s9 =	sld [smem:$0x3FAE]  }
0x2f: {  	lr =	sadd.s32 s0, s3;
	s0 =	sld [smem:$0x3FA5]  }
0x30: {  	s3 =	sld [smem:$0x3FA8]  }
0x31: {  	[smem:$0x3FB1] =	sst s10  }
0x32: {  	s10 =	sld [smem:$0x3FAF];
	_ =	sdelay $0x3  }
0x33: {  	p0 =	seq.s32 s10, $0x1;
	s10 =	sld [smem:$0x3FB1];
	_ =	sdelay $0x3  }
0x34: {  	[smem:$0x3FB1] =	sst s10  }
0x35: {  	s10 =	sld [smem:$0x3FB0];
	_ =	sdelay $0x3  }
0x36: {  	p1 =	seq.s32 s10, $0x1;
	s10 =	sld [smem:$0x3FB1];
	_ =	sdelay $0x3  }
0x37: {  	[smem:$0x3FB1] =	sst s10  }
0x38: {  	s10 =	sld [smem:$0x3FB2]  }
0x39: {  	_ = 	snop;
	(pc) =	sbr.ind lr, $3  }
0x3a: {  	_ = 	snop  }
0x3b: {  	_ = 	snop  }
0x3c: {  	p2 =	seq.s32 s10, $0x1;
	s10 =	sld [smem:$0x3FB1]  }
0x3d: {  	_ =	shalt  }
0x3e: {  	_ =	shalt  }
0x3f: {  	_ =	shalt  }
0x40: {  	_ =	shalt  }
0x41: {  	_ =	shalt  }
0x42: {  	_ =	shalt  }
0x43: {  	_ =	shalt  }
0x44: {  	_ =	shalt  }
0x45: {  	_ =	shalt  }
0x46: {  	_ =	shalt  }
0x47: {  	_ =	shalt  }
0x48: {  	_ =	shalt  }
0x49: {  	_ =	shalt  }
0x4a: {  	_ =	shalt  }
0x4b: {  	_ =	shalt  }
0x4c: {  	_ =	shalt  }
0x4d: {  	_ =	shalt  }
0x4e: {  	_ =	shalt  }
0x4f: {  	_ =	shalt  }
0x50: {  	_ =	shalt  }
0x51: {  	_ =	shalt  }
0x52: {  	_ =	shalt  }
0x53: {  	_ =	shalt  }
0x54: {  	_ =	shalt  }
0x55: {  	_ =	shalt  }
0x56: {  	_ =	shalt  }
0x57: {  	_ =	shalt  }
0x58: {  	_ =	shalt  }
0x59: {  	_ =	shalt  }
0x5a: {  	_ =	shalt  }
0x5b: {  	_ =	shalt  }
0x5c: {  	_ =	shalt  }
0x5d: {  	_ =	shalt  }
0x5e: {  	_ =	shalt  }
0x5f: {  	_ =	shalt  }
0x60: {  	_ =	shalt  }
0x61: {  	_ =	shalt  }
0x62: {  	_ =	shalt  }
0x63: {  	_ =	shalt  }
0x64: {  	_ =	shalt  }
0x65: {  	_ =	shalt  }
0x66: {  	_ =	shalt  }
0x67: {  	_ =	shalt  }
0x68: {  	_ =	shalt  }
0x69: {  	_ =	shalt  }
0x6a: {  	_ =	shalt  }
0x6b: {  	_ =	shalt  }
0x6c: {  	_ =	shalt  }
0x6d: {  	_ =	shalt  }
0x6e: {  	_ =	shalt  }
0x6f: {  	_ =	shalt  }
0x70: {  	_ =	shalt  }
0x71: {  	_ =	shalt  }
0x72: {  	_ =	shalt  }
0x73: {  	_ =	shalt  }
0x74: {  	_ =	shalt  }
0x75: {  	_ =	shalt  }
0x76: {  	_ =	shalt  }
0x77: {  	_ =	shalt  }
0x78: {  	_ =	shalt  }
0x79: {  	_ =	shalt  }
0x7a: {  	_ =	shalt  }
0x7b: {  	_ =	shalt  }
0x7c: {  	_ =	shalt  }
0x7d: {  	_ =	shalt  }
0x7e: {  	_ =	shalt  }
0x7f: {  	_ =	shalt  }
0x80: {  	_ =	shalt  }
0x81: {  	_ =	shalt  }
0x82: {  	_ =	shalt  }
0x83: {  	_ =	shalt  }
0x84: {  	_ =	shalt  }
0x85: {  	_ =	shalt  }
0x86: {  	_ =	shalt  }
0x87: {  	_ =	shalt  }
.Lfunc_end0:
.L_simem_size_0:
called_computation_lowered:
.L_overlay_start_0:
0x88: {  	s2 =	sld [smem:$0x3FD9]  }
0x89: {  	s3 =	sld [smem:$0x3FFE];
	_ =	sdelay $0x1  }
0x8a: {  	s1 =	srdreg.scid  }
0x8b: {  	s0 =	sand.u32 $0x1, s1  }
0x8c: {  	s17 =	sshll.u32 s0, $0xA;
	s2 =	sadd.s32 s3, s2  }
0x8d: {  	s2 =	sadd.s32 s2, s17  }
0x8e: {  	[smem:$0x3FBD] =	sst s2  }
0x8f: {  	_ = 	snop  }
0x90: {  	s2 =	sld [smem:$0x3FD0];
	(tm) =	ssettm $0x1  }
0x91: {  	s18 =	sld [smem:$0x3FFB];
	_ =	sdelay $0x3  }
0x92: {  	_ =	strace s18  }
0x93: {  	s3 =	sld [smem:$0x3FFC];
	_ =	sdelay $0x3  }
0x94: {  	_ =	strace s3  }
0x95: {  	s3 =	sld [smem:$0x3FFD];
	_ =	sdelay $0x3  }
0x96: {  	_ =	strace s3  }
0x97: {  	_ =	strace $0x8FFFFFFF  }
0x98: {  	s19 =	sld [smem:$0x3FDB];
	_ =	sdelay $0x1  }
0x99: {  	s4 =	simm.s32 $_scs_section_size  }
0x9a: {  	s5 =	simm.s32 $_size__tile_overlayer_lowered;
	s6 =	simm.s32 $_tile_overlayer_lowered  }
0x9b: {  	s22 =	simm.s32 $0x1BFF;
	s21 =	sshll.u32 s6, $0x1;
	s3 =	sadd.s32 s4, s19  }
0x9c: {  	s7 =	simm.s32 $0x0;
	s20 =	sshll.u32 s5, $0x1;
	s5 =	sadd.s32 s21, s3  }
0x9d: {  	[timem:s7], [sflag:s22] =	dma.local [hbm:s5], s20  }
0x9e: {  	_ =	swait.ge [sflag:s22], s20  }
0x9f: {  	s4 =	ssub.s32 $0x0, s20;
	[sflag:s22] =	ssyncset.done $0x0  }
0xa0: {  	[sflag:s22] =	ssyncadd.s32 s4;
	_ =	sdelay $0x1  }
0xa1: {  	s23 =	simm.s32 $0x1B8B  }
0xa2: {  	_ =	swait.ge [sflag:s23], $0x1  }
0xa3: {  	[sflag:s23] =	ssyncset.done $0x0  }
0xa4: {  	s25 =	simm.s32 $0x1B8E;
	s24 =	sld [smem:$0x3FFE];
	[sflag:s23] =	ssyncadd.s32 $0xFFFFFFFF  }
0xa5: {  	s26 =	simm.s32 $execute0_lowered;
	[smem:$0x3FD2] =	sst s25  }
0xa6: {  	s5 =	sshll.u32 s26, $0x1;
	_ =	strace $0x80000046;
	[dreg:$0x1] =	wrdreg $0xFFFFFFFF  }
0xa7: {  	s28 =	simm.s32 $_size_execute0_lowered;
	s3 =	sadd.s32 s3, s5;
	[dreg:$0x0] =	wrdreg $0x0  }
0xa8: {  	s5 =	sshll.u32 s28, $0x1;
	[dreg:$0x2] =	wrdreg s3  }
0xa9: {  	[dreg:$0x3] =	wrdreg s5  }
0xaa: {  	[dreg:$0x4] =	wrdreg $0xC0  }
0xab: {  	_ =	task [dreg:s7], $0x5FFFF  }
0xac: {  	[dreg:$0x1] =	wrdreg $0xFFFFFFFF  }
0xad: {  	[dreg:$0x0] =	wrdreg $0x60  }
0xae: {  	[dreg:$0x2] =	wrdreg s24  }
0xaf: {  	[dreg:$0x3] =	wrdreg s2  }
0xb0: {  	[dreg:$0x4] =	wrdreg $0x40800  }
0xb1: {  	[dreg:$0x5] =	wrdreg $0x9  }
0xb2: {  	_ =	task.clear_ibuf [dreg:s7], $0x6FFFF;
	_ =	strace $0x90000046  }
0xb3: {  	s29 =	simm.s32 $0x9;
	_ =	strace $0x80000048  }
0xb4: {  	_ =	swait.ge [sflag:s29], $0x1  }
0xb5: {  	[sflag:s29] =	ssyncadd.s32 $0xFFFFFFFF  }
0xb6: {  	_ =	strace $0x90000048  }
0xb7: {  	_ =	sfence  }
0xb8: {  	s30 =	sld [smem:$0x0];
	_ =	sdelay $0x2  }
0xb9: {  	s31 =	sshll.u32 s1, $0xD;
	s1 =	sshrl.u32 s1, $0x2  }
0xba: {  	s3 =	sand.u32 $0x4000, s31;
	s1 =	sadd.s32 s1, s30  }
0xbb: {  	s0 =	sor.u32 s3, s0;
	s1 =	sshll.u32 s1, $0x11  }
0xbc: {  	s0 =	sor.u32 s1, s0  }
0xbd: {  	s0 =	sadd.s32 $0x8F2B, s0  }
0xbe: {  	[sflag:s0] =	ssyncadd.remote.s32 $0x1  }
0xbf: {  	_ =	sfence.sel $0xFFFF  }
0xc0: {  	[dreg:$0x0] =	wrdreg $0xFFFFFFFF;
	(pc) =	sbr.abs _section_cstart, $3  }
0xc1: {  	[dreg:$0x1] =	wrdreg $0xFFFFFFFF  }
0xc2: {  	_ =	task.clear_ibuf [dreg:s7], $0x2FFFF;
	_ =	strace $0x9FFFFFFF  }
0xc3: {  	(tm) =	ssettm $0x7FFFFFFF  }
tec
execute0_lowered:
.L_overlay_start_1:
0x0: {  	(tag) =	ssettag $0x1  }
0x1: {  	s6 =	rddreg [dreg:$0x0]  }
0x2: {  	s2 =	rddreg [dreg:$0x1]  }
0x3: {  	s3 =	rddreg [dreg:$0x2]  }
0x4: {  	s0 =	rddreg [dreg:$0x3]  }
0x5: {  	s1 =	stileid.u32;
	s5 =	srdreg.scid;
	s4 =	simm.s32 $0x0  }
0x6: {  	s13 =	simm.s32 $0x50;
	s14 =	simm.s32 $0x0;
	s7 =	sand.u32 $0x1, s5  }
0x7: {  	s8 =	smul.u32 $0x280, s1;
	[smem:$0x7FF] =	sst s4;
	s9 =	sshll.u32 s1, $0xB  }
0x8: {  	s30 =	sshll.u32 s1, $0x6;
	s5 =	smul.u32 $0x2800, s7;
	_ =	strace $0x80000047  }
0x9: {  	s9 =	sadd.s32 s9, s6;
	s11 =	ssub.s32 $0x2, s7;
	s28 =	sshll.u32 s7, $0xF  }
0xa: {  	s12 =	sshrl.u32 s11, $0x1;
	s29 =	sadd.s32 s8, s3;
	s31 =	sadd.s32 s28, s9  }
0xb: {  	s10 =	sadd.s32 s8, s5;
	s5 =	sadd.s32 $0x26200, s6;
	s11 =	ssub.s32 s11, s12  }
0xc: {  	s7 =	sadd.s32 $0x16200, s31;
	s12 =	simm.s32 $0x4000;
	s10 =	sshrl.u32 s10, $0x3  }
0xd: {  	s9 =	smax.u32 s11, $0x1;
	s11 =	simm.s32 $0x1;
	s10 =	sadd.s32 s10, s6  }
0xe: {  	s6 =	sor.u32 $0x1C01, s30;
	s8 =	sadd.s32 $0x26400, s10;
	s10 =	sshrl.u32 s29, $0x3  }
.LBB2_1:
0xf: {  	[spmem:s10], [sflag:s6] =	dma.local [hbm:s2], $0x50  }
0x10: {  	_ =	swait.ge [sflag:s11], $0x50  }
0x11: {  	[sflag:s11] =	ssyncset.done $0x0  }
0x12: {  	[sflag:s11] =	ssyncadd.s32 $0xFFFFFFB0  }
0x13: {  	[tilespmem:s12], [sflag:$0x1] =	stream.linear.gather [hbm4b:s5+s4], $0x80, $0x38;
	[tilespmem:$0x4300] =	vst v63  }
0x14: {  	_ =	swait.ge [sflag:s11], $0x80  }
0x15: {  	[sflag:s11] =	ssyncset.done $0x0  }
0x16: {  	[sflag:s11] =	ssyncadd.s32 $0xFFFFFF80  }
0x17: {  	[tilespmem:s4], [sflag:$0x1] =	stream.linear.gather [hbm4b:s7+s4], $0x3E80, $0x38;
	[tilespmem:$0x4300] =	vst v63  }
0x18: {  	_ =	swait.ge [sflag:s11], $0x3E80  }
0x19: {  	[sflag:s11] =	ssyncset.done $0x0  }
0x1a: {  	[sflag:s11] =	ssyncadd.s32 $0xFFFFC180  }
0x1b: {  	s15 =	simm.s32 $0x0;
	[bflag:$0x0] =	sbarrier.arrive $0xFFFF  }
0x1c: {  	[spmem:s3] =	stream.indirect.scatter.add.f32 [tilespmem:s12], [sflag:$0x1], $0x1, s15, s13, $0xb8;
	[tilespmem:$0x4300] =	vst v63  }
0x1d: {  	_ =	swait.ge [sflag:s11], $0x50  }
0x1e: {  	s15 =	simm.s32 $0x200;
	[sflag:s11] =	ssyncset.done $0x0  }
.LBB2_2:
0x1f: {  	s16 =	sshra.s32 s15, $0x2;
	[sflag:s11] =	ssyncadd.s32 $0xFFFFFFB0;
	p0 =	sne.s32 s15, $0xF800  }
0x20: {  	[spmem:s3] =	stream.indirect.scatter.add.f32 [tilespmem:s12], [sflag:$0x1], $0x1, s16, s13, $0xb8;
	[tilespmem:$0x4300] =	vst v63  }
.Ltmp0:
0x21: {  	_ = 	snop;
	(pc) =	sbr.rel @p0 .LBB2_2-.Ltmp0, $4  }
0x22: {  	_ = 	snop  }
0x23: {  	s15 =	sadd.s32 $0x200, s15  }
0x24: {  	_ =	swait.ge [sflag:s11], $0x50  }
0x25: {  	[sflag:s11] =	ssyncset.done $0x0  }
0x26: {  	s14 =	sadd.s32 $0x1, s14  }
0x27: {  	[sflag:s11] =	ssyncadd.s32 $0xFFFFFFB0;
	p0 =	sne.s32 s14, s9  }
.Ltmp1:
0x28: {  	[bflag:$0x0] =	sbarrier.arrive $0xFFFF;
	(pc) =	sbr.rel @p0 .LBB2_1-.Ltmp1, $4  }
0x29: {  	[hbm:s8], [sflag:s6] =	dma.local [spmem:s10], $0x50  }
0x2a: {  	_ =	swait.ge [sflag:s11], $0x50  }
0x2b: {  	[sflag:s11] =	ssyncset.done $0x0  }
0x2c: {  	[sflag:s11] =	ssyncadd.s32 $0xFFFFFFB0  }
0x2d: {  	_ =	sfence.sel $0x180000  }
0x2e: {  	[bflag:$0x0] =	sbarrier.arrive $0xFFFF  }
0x2f: {  	p0 =	sne.s32 s1, $0x0;
	_ =	strace $0x90000047  }
0x30: {  	s0 =	sadd.s32 @!p0 $0x100000, s0;
	[bflag:$0x2] =	sbarrier.arrive $0xFFFF  }
0x31: {  	[sflag:s0] =	ssyncadd.tile.s32 @!p0 $0x1;
	_ =	shalt  }
.Lfunc_end2:
_tile_overlayer_lowered:
.L_overlay_start_2:
0x32: {  	(tag) =	ssettag $0x2  }
0x33: {  	s0 =	rddreg [dreg:$0x0];
	s2 =	stileid.u32  }
0x34: {  	s1 =	rddreg [dreg:$0x1];
	p0 =	sne.s32 s2, $0x0  }
0x35: {  	s3 =	rddreg [dreg:$0x2];
	[bflag:$0x3] =	sbarrier.arrive $0xFFFF;
	s2 =	simm.s32 @!p0 $0x1C01  }
0x36: {  	[timem:s3], [sflag:s2] =	dma.local @!p0 [hbm:s0], s1  }
0x37: {  	s0 =	simm.s32 @!p0 $0x1  }
0x38: {  	_ =	swait.ge @!p0 [sflag:s0], s1  }
0x39: {  	s1 =	ssub.s32 @!p0 $0x0, s1;
	[sflag:s0] =	ssyncset.done @!p0 $0x0  }
0x3a: {  	[sflag:s0] =	ssyncadd.s32 @!p0 s1  }
0x3b: {  	[bflag:$0x3] =	sbarrier.arrive $0xFFFF  }
0x3c: {  	_ =	shalt  }

// kernel: kernel.9.cloned.1.call-start
scs
__scs_entry_jumppad:
0x0: {  	(pc) =	sbr.rel $0x88, $3  }
0x1: {  	(tag) =	ssettag $0x0;
	lr =	simm.s32 $0x1  }
0x2: {  	[smem:$0x3F96] =	sst lr;
	_ =	strace $0xD0000000  }
0x3: {  	_ = 	snop  }
0x4: {  	_ = 	snop  }
0x5: {  	_ = 	snop  }
0x6: {  	_ = 	snop  }
0x7: {  	_ = 	snop  }
__scs_overlays_trampoline_lowered:
0x8: {  	[smem:$0x3FA5] =	sst s0  }
0x9: {  	[smem:$0x3FA6] =	sst s1  }
0xa: {  	[smem:$0x3FA7] =	sst s2  }
0xb: {  	[smem:$0x3FA8] =	sst s3  }
0xc: {  	[smem:$0x3FA9] =	sst s4  }
0xd: {  	[smem:$0x3FAA] =	sst s5  }
0xe: {  	[smem:$0x3FAB] =	sst s6  }
0xf: {  	[smem:$0x3FAC] =	sst s7  }
0x10: {  	[smem:$0x3FAD] =	sst s8  }
0x11: {  	[smem:$0x3FAE] =	sst s9;
	s0 =	simm.s32 @!p0 $0x0  }
0x12: {  	s1 =	sld [smem:$0x3F94];
	s0 =	simm.s32 @p0 $0x1  }
0x13: {  	[smem:$0x3FAF] =	sst s0;
	s0 =	simm.s32 @!p1 $0x0  }
0x14: {  	s2 =	sld [smem:$0x3F93];
	s0 =	simm.s32 @p1 $0x1  }
0x15: {  	[smem:$0x3FB0] =	sst s0;
	s0 =	simm.s32 @!p2 $0x0  }
0x16: {  	s3 =	sld [smem:$0x3FDB];
	s0 =	simm.s32 @p2 $0x1  }
0x17: {  	s4 =	simm.s32 $0x1BF5;
	[smem:$0x3FB2] =	sst s0  }
0x18: {  	s0 =	sld [smem:$0x3F95];
	_ =	swait.ge [sflag:s4], $0x0  }
0x19: {  	s7 =	sld [smem:$0x3F96]  }
0x1a: {  	s8 =	sadd.s32 $0xFFFFE003, lr  }
0x1b: {  	s9 =	sadd.s32 $0xFFFFFEF7, lr;
	s5 =	simm.s32 $0xFFFFFFFF;
	p2 =	slt.u32 s8, $0xFFFFF086  }
0x1c: {  	p1 =	slt.u32 s9, $0xF7A;
	s5 =	simm.s32 @!p2 $0x0  }
0x1d: {  	s5 =	simm.s32 @p1 $0x1;
	p0 =	seq.s32 s7, s2  }
0x1e: {  	s7 =	smul.u32 @!p0 $0xF7A, s2;
	p2 =	seq.s32 @!p0 s5, $0x0  }
0x1f: {  	s9 =	smul.u32 $0xF7A, s1;
	s8 =	simm.s32 @!p0 $0x1BF5;
	p2 =	por !p2, p0  }
0x20: {  	[sflag:s8] =	ssyncset.s32 @!p0 $0xFFFFF086;
	s6 =	sadd.s32 @!p0 s3, s7;
	s7 =	simm.s32 @!p0 $0x108  }
0x21: {  	s3 =	sadd.s32 s3, s9;
	s6 =	sadd.s32 @!p0 $0x88, s6;
	s7 =	simm.s32 @p2 $0x1082  }
0x22: {  	[simem:s7], [sflag:s8] =	dma.local @!p0 [hbm:s6], $0xF7A  }
0x23: {  	s9 =	sor.u32 $0xD0000000, s2;
	s6 =	simm.s32 $0x108;
	_ =	swait.ge @!p0 [sflag:s8], $0x0  }
0x24: {  	s3 =	sadd.s32 $0x88, s3;
	s6 =	simm.s32 @!p1 $0x1082;
	[sflag:s4] =	ssyncset.s32 $0xFFFFF086  }
0x25: {  	[simem:s6], [sflag:s4] =	dma.local [hbm:s3], $0xF7A  }
0x26: {  	[smem:$0x3F96] =	sst s1;
	(tag) =	ssettag s2;
	_ =	strace s9  }
0x27: {  	s1 =	sld [smem:$0x3FA6]  }
0x28: {  	s2 =	sld [smem:$0x3FA7]  }
0x29: {  	s4 =	sld [smem:$0x3FA9]  }
0x2a: {  	p0 =	seq.s32 s5, $0x0;
	s5 =	sld [smem:$0x3FAA]  }
0x2b: {  	s6 =	sld [smem:$0x3FAB]  }
0x2c: {  	s7 =	sld [smem:$0x3FAC]  }
0x2d: {  	s3 =	simm.s32 $0x108;
	s8 =	sld [smem:$0x3FAD]  }
0x2e: {  	s3 =	simm.s32 @!p0 $0x1082;
	s9 =	sld [smem:$0x3FAE]  }
0x2f: {  	lr =	sadd.s32 s0, s3;
	s0 =	sld [smem:$0x3FA5]  }
0x30: {  	s3 =	sld [smem:$0x3FA8]  }
0x31: {  	[smem:$0x3FB1] =	sst s10  }
0x32: {  	s10 =	sld [smem:$0x3FAF];
	_ =	sdelay $0x3  }
0x33: {  	p0 =	seq.s32 s10, $0x1;
	s10 =	sld [smem:$0x3FB1];
	_ =	sdelay $0x3  }
0x34: {  	[smem:$0x3FB1] =	sst s10  }
0x35: {  	s10 =	sld [smem:$0x3FB0];
	_ =	sdelay $0x3  }
0x36: {  	p1 =	seq.s32 s10, $0x1;
	s10 =	sld [smem:$0x3FB1];
	_ =	sdelay $0x3  }
0x37: {  	[smem:$0x3FB1] =	sst s10  }
0x38: {  	s10 =	sld [smem:$0x3FB2]  }
0x39: {  	_ = 	snop;
	(pc) =	sbr.ind lr, $3  }
0x3a: {  	_ = 	snop  }
0x3b: {  	_ = 	snop  }
0x3c: {  	p2 =	seq.s32 s10, $0x1;
	s10 =	sld [smem:$0x3FB1]  }
0x3d: {  	_ =	shalt  }
0x3e: {  	_ =	shalt  }
0x3f: {  	_ =	shalt  }
0x40: {  	_ =	shalt  }
0x41: {  	_ =	shalt  }
0x42: {  	_ =	shalt  }
0x43: {  	_ =	shalt  }
0x44: {  	_ =	shalt  }
0x45: {  	_ =	shalt  }
0x46: {  	_ =	shalt  }
0x47: {  	_ =	shalt  }
0x48: {  	_ =	shalt  }
0x49: {  	_ =	shalt  }
0x4a: {  	_ =	shalt  }
0x4b: {  	_ =	shalt  }
0x4c: {  	_ =	shalt  }
0x4d: {  	_ =	shalt  }
0x4e: {  	_ =	shalt  }
0x4f: {  	_ =	shalt  }
0x50: {  	_ =	shalt  }
0x51: {  	_ =	shalt  }
0x52: {  	_ =	shalt  }
0x53: {  	_ =	shalt  }
0x54: {  	_ =	shalt  }
0x55: {  	_ =	shalt  }
0x56: {  	_ =	shalt  }
0x57: {  	_ =	shalt  }
0x58: {  	_ =	shalt  }
0x59: {  	_ =	shalt  }
0x5a: {  	_ =	shalt  }
0x5b: {  	_ =	shalt  }
0x5c: {  	_ =	shalt  }
0x5d: {  	_ =	shalt  }
0x5e: {  	_ =	shalt  }
0x5f: {  	_ =	shalt  }
0x60: {  	_ =	shalt  }
0x61: {  	_ =	shalt  }
0x62: {  	_ =	shalt  }
0x63: {  	_ =	shalt  }
0x64: {  	_ =	shalt  }
0x65: {  	_ =	shalt  }
0x66: {  	_ =	shalt  }
0x67: {  	_ =	shalt  }
0x68: {  	_ =	shalt  }
0x69: {  	_ =	shalt  }
0x6a: {  	_ =	shalt  }
0x6b: {  	_ =	shalt  }
0x6c: {  	_ =	shalt  }
0x6d: {  	_ =	shalt  }
0x6e: {  	_ =	shalt  }
0x6f: {  	_ =	shalt  }
0x70: {  	_ =	shalt  }
0x71: {  	_ =	shalt  }
0x72: {  	_ =	shalt  }
0x73: {  	_ =	shalt  }
0x74: {  	_ =	shalt  }
0x75: {  	_ =	shalt  }
0x76: {  	_ =	shalt  }
0x77: {  	_ =	shalt  }
0x78: {  	_ =	shalt  }
0x79: {  	_ =	shalt  }
0x7a: {  	_ =	shalt  }
0x7b: {  	_ =	shalt  }
0x7c: {  	_ =	shalt  }
0x7d: {  	_ =	shalt  }
0x7e: {  	_ =	shalt  }
0x7f: {  	_ =	shalt  }
0x80: {  	_ =	shalt  }
0x81: {  	_ =	shalt  }
0x82: {  	_ =	shalt  }
0x83: {  	_ =	shalt  }
0x84: {  	_ =	shalt  }
0x85: {  	_ =	shalt  }
0x86: {  	_ =	shalt  }
0x87: {  	_ =	shalt  }
.Lfunc_end0:
.L_simem_size_0:
called_computation.1_lowered:
.L_overlay_start_0:
0x88: {  	s2 =	sld [smem:$0x3FD9]  }
0x89: {  	s3 =	sld [smem:$0x3FFE];
	_ =	sdelay $0x1  }
0x8a: {  	s1 =	srdreg.scid  }
0x8b: {  	s0 =	sand.u32 $0x1, s1  }
0x8c: {  	s16 =	sshll.u32 s0, $0xA;
	s2 =	sadd.s32 s3, s2  }
0x8d: {  	s2 =	sadd.s32 s2, s16  }
0x8e: {  	[smem:$0x3FBD] =	sst s2  }
0x8f: {  	_ = 	snop  }
0x90: {  	(tm) =	ssettm $0x1  }
0x91: {  	s17 =	sld [smem:$0x3FFB];
	_ =	sdelay $0x3  }
0x92: {  	_ =	strace s17  }
0x93: {  	s2 =	sld [smem:$0x3FFC];
	_ =	sdelay $0x3  }
0x94: {  	_ =	strace s2  }
0x95: {  	s2 =	sld [smem:$0x3FFD];
	_ =	sdelay $0x3  }
0x96: {  	_ =	strace s2  }
0x97: {  	_ =	strace $0x8FFFFFFF  }
0x98: {  	s18 =	sld [smem:$0x3FDB];
	_ =	sdelay $0x1  }
0x99: {  	s19 =	simm.s32 $_scs_section_size  }
0x9a: {  	s4 =	simm.s32 $_size__tile_overlayer_lowered;
	s5 =	simm.s32 $_tile_overlayer_lowered  }
0x9b: {  	s22 =	simm.s32 $0x1BFF;
	s21 =	sshll.u32 s5, $0x1;
	s2 =	sadd.s32 s19, s18  }
0x9c: {  	s6 =	simm.s32 $0x0;
	s20 =	sshll.u32 s4, $0x1;
	s4 =	sadd.s32 s21, s2  }
0x9d: {  	[timem:s6], [sflag:s22] =	dma.local [hbm:s4], s20  }
0x9e: {  	_ =	swait.ge [sflag:s22], s20  }
0x9f: {  	s3 =	ssub.s32 $0x0, s20;
	[sflag:s22] =	ssyncset.done $0x0  }
0xa0: {  	[sflag:s22] =	ssyncadd.s32 s3;
	_ =	sdelay $0x1  }
0xa1: {  	s23 =	simm.s32 $0x1B8B  }
0xa2: {  	_ =	swait.ge [sflag:s23], $0x1  }
0xa3: {  	[sflag:s23] =	ssyncset.done $0x0  }
0xa4: {  	s25 =	simm.s32 $0x1B8E;
	s24 =	sld [smem:$0x3FFE];
	[sflag:s23] =	ssyncadd.s32 $0xFFFFFFFF  }
0xa5: {  	s26 =	simm.s32 $execute0_lowered;
	[smem:$0x3FD2] =	sst s25  }
0xa6: {  	s4 =	sshll.u32 s26, $0x1;
	_ =	strace $0x80000049;
	[dreg:$0x1] =	wrdreg $0xFFFFFFFF  }
0xa7: {  	s28 =	simm.s32 $_size_execute0_lowered;
	s2 =	sadd.s32 s2, s4;
	[dreg:$0x0] =	wrdreg $0x0  }
0xa8: {  	s4 =	sshll.u32 s28, $0x1;
	[dreg:$0x2] =	wrdreg s2  }
0xa9: {  	[dreg:$0x3] =	wrdreg s4  }
0xaa: {  	[dreg:$0x4] =	wrdreg $0xC0  }
0xab: {  	_ =	task [dreg:s6], $0x5FFFF  }
0xac: {  	[dreg:$0x1] =	wrdreg $0xFFFFFFFF  }
0xad: {  	[dreg:$0x0] =	wrdreg $0x60  }
0xae: {  	[dreg:$0x2] =	wrdreg s24  }
0xaf: {  	[dreg:$0x3] =	wrdreg $0xC4400  }
0xb0: {  	[dreg:$0x4] =	wrdreg $0x9  }
0xb1: {  	_ =	task.clear_ibuf [dreg:s6], $0x5FFFF;
	_ =	strace $0x90000049  }
0xb2: {  	s29 =	simm.s32 $0x9;
	_ =	strace $0x8000004B  }
0xb3: {  	_ =	swait.ge [sflag:s29], $0x1  }
0xb4: {  	[sflag:s29] =	ssyncadd.s32 $0xFFFFFFFF  }
0xb5: {  	_ =	strace $0x9000004B  }
0xb6: {  	_ =	sfence  }
0xb7: {  	s30 =	sld [smem:$0x0];
	_ =	sdelay $0x2  }
0xb8: {  	s31 =	sshll.u32 s1, $0xD;
	s1 =	sshrl.u32 s1, $0x2  }
0xb9: {  	s3 =	sand.u32 $0x4000, s31;
	s1 =	sadd.s32 s1, s30  }
0xba: {  	s0 =	sor.u32 s3, s0;
	s1 =	sshll.u32 s1, $0x11  }
0xbb: {  	s0 =	sor.u32 s1, s0  }
0xbc: {  	s0 =	sadd.s32 $0x8F2B, s0  }
0xbd: {  	[sflag:s0] =	ssyncadd.remote.s32 $0x1  }
0xbe: {  	_ =	sfence.sel $0xFFFF  }
0xbf: {  	[dreg:$0x0] =	wrdreg $0xFFFFFFFF;
	(pc) =	sbr.abs _section_cstart, $3  }
0xc0: {  	[dreg:$0x1] =	wrdreg $0xFFFFFFFF  }
0xc1: {  	_ =	task.clear_ibuf [dreg:s6], $0x2FFFF;
	_ =	strace $0x9FFFFFFF  }
0xc2: {  	(tm) =	ssettm $0x7FFFFFFF  }
0xc3: {  	_ =	shalt  }
tec
execute0_lowered:
.L_overlay_start_1:
0x0: {  	(tag) =	ssettag $0x1  }
0x1: {  	s6 =	rddreg [dreg:$0x0]  }
0x2: {  	s2 =	rddreg [dreg:$0x1]  }
0x3: {  	s0 =	rddreg [dreg:$0x2]  }
0x4: {  	s1 =	stileid.u32;
	s4 =	srdreg.scid;
	s3 =	simm.s32 $0x0  }
0x5: {  	s13 =	simm.s32 $0x4E20;
	s14 =	simm.s32 $0x50;
	s15 =	simm.s32 $0x9C40  }
0x6: {  	s16 =	simm.s32 $0xB040;
	s17 =	simm.s32 $0x1;
	s18 =	simm.s32 $0x2  }
0x7: {  	s20 =	simm.s32 $0x9BF0;
	s21 =	simm.s32 $0x0;
	s5 =	smul.u32 $0x9C4, s1  }
0x8: {  	s19 =	sand.u32 $0x1, s4;
	s7 =	smul.u32 $0xA000, s1;
	[smem:$0x7FF] =	sst s3  }
0x9: {  	s4 =	sadd.s32 $0x16200, s6;
	s31 =	sshll.u32 s1, $0x6;
	s8 =	smul.u32 $0xA0000, s19  }
0xa: {  	_ =	strace $0x8000004A;
	s10 =	ssub.s32 $0x2, s19;
	v0 =	vmov s19;
	s19 =	simm.s32 $0x9BA0  }
0xb: {  	s9 =	sadd.s32 s5, s6;
	s5 =	sadd.s32 $0x3D400, s6;
	s30 =	sshrl.u32 s10, $0x1  }
0xc: {  	s12 =	sadd.s32 s7, s2;
	s8 =	sadd.s32 s7, s8;
	s10 =	ssub.s32 s10, s30  }
0xd: {  	s7 =	sadd.s32 $0x2600, s9;
	s8 =	sshrl.u32 s8, $0x3;
	s10 =	smax.u32 s10, $0x1  }
0xe: {  	s11 =	sadd.s32 s8, s6;
	s6 =	sor.u32 $0x1C03, s31;
	s8 =	sadd.s32 $0xC400, s9  }
0xf: {  	s9 =	sadd.s32 $0x3E800, s11;
	s11 =	sshrl.u32 s12, $0x3;
	s12 =	simm.s32 $0x3  }
.LBB2_1:
0x10: {  	[spmem:s11], [sflag:s6] =	dma.local [hbm:s5], $0x1400  }
0x11: {  	s22 =	smul.u32 $0xCCCD, s3  }
0x12: {  	_ =	swait.ge [sflag:s12], $0x1400  }
0x13: {  	[sflag:s12] =	ssyncset.done $0x0;
	s22 =	sshrl.u32 s22, $0x12  }
0x14: {  	[sflag:s12] =	ssyncadd.s32 $0xFFFFEC00;
	s23 =	smul.u32 $0x5, s22  }
0x15: {  	[tilespmem:s3], [sflag:$0x3] =	stream.linear.gather [hbm4b:s7+s3], $0x4E20, $0x38;
	[tilespmem:$0x16440] =	vst v63  }
0x16: {  	s22 =	smul.u32 $0x140, s22;
	_ =	swait.ge [sflag:s12], $0x4E20  }
0x17: {  	[sflag:s12] =	ssyncset.done $0x0  }
0x18: {  	s23 =	ssub.s32 $0x0, s23;
	s22 =	sshrl.u32 s22, $0x2;
	[sflag:s12] =	ssyncadd.s32 $0xFFFFB1E0  }
0x19: {  	[tilespmem:s13], [sflag:$0x3] =	stream.linear.gather [hbm4b:s8+s3], $0x4E20, $0x38;
	[tilespmem:$0x16440] =	vst v63  }
0x1a: {  	s24 =	sand.u32 $0xFFFF, s23;
	s23 =	simm.s32 $0x1;
	_ =	swait.ge [sflag:s12], $0x4E20  }
0x1b: {  	s26 =	sshll.u32 s24, $0x4;
	s25 =	smul.u32 $0xCCCD, s23;
	[sflag:s12] =	ssyncset.done $0x0  }
0x1c: {  	s24 =	simm.s32 $0x2;
	s22 =	sadd.s32 s26, s22;
	[sflag:s12] =	ssyncadd.s32 $0xFFFFB1E0  }
.LBB2_2:
0x1d: {  	p0 =	sne.s32 s24, $0x4E1;
	v1 =	vld [tilespmem:s22+$0x0]  }
0x1e: {  	s25 =	sshrl.u32 s25, $0x12  }
0x1f: {  	s26 =	smul.u32 $0x5, s25  }
.Ltmp0:
0x20: {  	(pc) =	sbr.rel @p0 .LBB2_2-.Ltmp0, $4  }
0x21: {  	s25 =	smul.u32 $0x140, s25;
	s26 =	ssub.s32 s23, s26;
	s23 =	smov.u32 s24  }
0x22: {  	s26 =	sand.u32 $0xFFFF, s26;
	v1 =	vshll.u32 v1, $0x1  }
0x23: {  	s28 =	sshrl.u32 s25, $0x2;
	s26 =	sshll.u32 s26, $0x4;
	v1 =	vor.u32 v0, v1  }
0x24: {  	s24 =	sadd.s32 $0x1, s24;
	s25 =	smul.u32 $0xCCCD, s23;
	[tilespmem:s22+$0x0] =	vst v1;
	s22 =	sadd.s32 s26, s28  }
0x25: {  	v1 =	vld [tilespmem:s22+$0x0]  }
0x26: {  	s24 =	sshrl.u32 s25, $0x12  }
0x27: {  	s25 =	smul.u32 $0x5, s24;
	_ =	sdelay $0x1  }
0x28: {  	s24 =	smul.u32 $0x140, s24;
	s23 =	ssub.s32 s23, s25  }
0x29: {  	s23 =	sand.u32 $0xFFFF, s23;
	v1 =	vshll.u32 v1, $0x1  }
0x2a: {  	s24 =	sshrl.u32 s24, $0x2;
	s23 =	sshll.u32 s23, $0x4;
	v1 =	vor.u32 v0, v1  }
0x2b: {  	s23 =	sadd.s32 s23, s24;
	[tilespmem:s22+$0x0] =	vst v1  }
0x2c: {  	v1 =	vld [tilespmem:s23+$0x0];
	_ =	sdelay $0x4  }
0x2d: {  	v1 =	vshll.u32 v1, $0x1  }
0x2e: {  	v1 =	vor.u32 v0, v1  }
0x2f: {  	[tilespmem:s23+$0x0] =	vst v1  }
0x30: {  	s28 =	simm.s32 $0x0;
	[bflag:$0x0] =	sbarrier.arrive $0xFFFF  }
0x31: {  	[tilespmem:s15], [sflag:$0x1] =	stream.indirect.gather [hbm4b:s4+s14], $0x40, s28, s14, $0xb8;
	[tilespmem:$0x16440] =	vst v63  }
0x32: {  	_ = 	snop  }
0x33: {  	[tilespmem:s16], [sflag:$0x2] =	stream.indirect.gather [hbm4b:s4+s14], $0x40, s14, s14, $0xb8;
	[tilespmem:$0x16440] =	vst v63  }
0x34: {  	_ =	swait.ge [sflag:s17], $0x1400  }
0x35: {  	[sflag:s17] =	ssyncset.done $0x0  }
0x36: {  	s29 =	simm.s32 $0x4E20;
	[sflag:s17] =	ssyncadd.s32 $0xFFFFEC00  }
0x37: {  	[spmem:s2] =	stream.indirect.scatter.add.f32 [tilespmem:s15], [sflag:$0x3], $0x40, s29, s14, $0xb8;
	[tilespmem:$0x16440] =	vst v63  }
0x38: {  	_ =	swait.ge [sflag:s12], $0x1400  }
0x39: {  	[sflag:s12] =	ssyncset.done $0x0  }
0x3a: {  	s30 =	simm.s32 $0xA0;
	[sflag:s12] =	ssyncadd.s32 $0xFFFFEC00  }
0x3b: {  	[tilespmem:s15], [sflag:$0x1] =	stream.indirect.gather [hbm4b:s4+s14], $0x40, s30, s14, $0xb8;
	[tilespmem:$0x16440] =	vst v63  }
0x3c: {  	_ =	swait.ge [sflag:s18], $0x1400  }
0x3d: {  	[sflag:s18] =	ssyncset.done $0x0  }
0x3e: {  	s31 =	simm.s32 $0x4E70;
	[sflag:s18] =	ssyncadd.s32 $0xFFFFEC00  }
0x3f: {  	[spmem:s2] =	stream.indirect.scatter.add.f32 [tilespmem:s16], [sflag:$0x3], $0x40, s31, s14, $0xb8;
	[tilespmem:$0x16440] =	vst v63  }
0x40: {  	_ =	swait.ge [sflag:s12], $0x1400  }
0x41: {  	[sflag:s12] =	ssyncset.done $0x0  }
0x42: {  	s22 =	simm.s32 $0x280;
	s23 =	simm.s32 $0xF0;
	[sflag:s12] =	ssyncadd.s32 $0xFFFFEC00  }
.LBB2_4:
0x43: {  	[tilespmem:s16], [sflag:$0x2] =	stream.indirect.gather [hbm4b:s4+s14], $0x40, s23, s14, $0xb8;
	[tilespmem:$0x16440] =	vst v63  }
0x44: {  	s23 =	smov.u32 s22  }
0x45: {  	p0 =	sne.s32 s22, $0x13380;
	s22 =	sadd.s32 $0x280, s22;
	_ =	swait.ge [sflag:s17], $0x1400  }
0x46: {  	s23 =	sshra.s32 s23, $0x2;
	[sflag:s17] =	ssyncset.done $0x0  }
0x47: {  	s24 =	sadd.s32 $0x4E20, s23;
	[sflag:s17] =	ssyncadd.s32 $0xFFFFEC00  }
0x48: {  	[spmem:s2] =	stream.indirect.scatter.add.f32 [tilespmem:s15], [sflag:$0x3], $0x40, s24, s14, $0xb8;
	[tilespmem:$0x16440] =	vst v63  }
0x49: {  	_ =	swait.ge [sflag:s12], $0x1400  }
0x4a: {  	[sflag:s12] =	ssyncset.done $0x0  }
0x4b: {  	s24 =	sadd.s32 $0xA0, s23;
	[sflag:s12] =	ssyncadd.s32 $0xFFFFEC00  }
0x4c: {  	[tilespmem:s15], [sflag:$0x1] =	stream.indirect.gather [hbm4b:s4+s14], $0x40, s24, s14, $0xb8;
	[tilespmem:$0x16440] =	vst v63  }
0x4d: {  	_ =	swait.ge [sflag:s18], $0x1400  }
0x4e: {  	[sflag:s18] =	ssyncset.done $0x0  }
.Ltmp1:
0x4f: {  	s24 =	sadd.s32 $0x4E70, s23;
	[sflag:s18] =	ssyncadd.s32 $0xFFFFEC00;
	(pc) =	sbr.rel @p0 .LBB2_4-.Ltmp1, $4  }
0x50: {  	[spmem:s2] =	stream.indirect.scatter.add.f32 [tilespmem:s16], [sflag:$0x3], $0x40, s24, s14, $0xb8;
	[tilespmem:$0x16440] =	vst v63  }
0x51: {  	_ =	swait.ge [sflag:s12], $0x1400  }
0x52: {  	[sflag:s12] =	ssyncset.done $0x0  }
0x53: {  	s23 =	sadd.s32 $0xF0, s23;
	[sflag:s12] =	ssyncadd.s32 $0xFFFFEC00  }
0x54: {  	[tilespmem:s16], [sflag:$0x2] =	stream.indirect.gather [hbm4b:s4+s14], $0x40, s23, s14, $0xb8;
	[tilespmem:$0x16440] =	vst v63  }
0x55: {  	_ =	swait.ge [sflag:s17], $0x1400  }
0x56: {  	[sflag:s17] =	ssyncset.done $0x0  }
0x57: {  	[sflag:s17] =	ssyncadd.s32 $0xFFFFEC00  }
0x58: {  	[spmem:s2] =	stream.indirect.scatter.add.f32 [tilespmem:s15], [sflag:$0x3], $0x40, s19, s14, $0xb8;
	[tilespmem:$0x16440] =	vst v63  }
0x59: {  	_ =	swait.ge [sflag:s12], $0x1400  }
0x5a: {  	[sflag:s12] =	ssyncset.done $0x0  }
0x5b: {  	[sflag:s12] =	ssyncadd.s32 $0xFFFFEC00  }
0x5c: {  	_ =	swait.ge [sflag:s18], $0x1400  }
0x5d: {  	[sflag:s18] =	ssyncset.done $0x0  }
0x5e: {  	[sflag:s18] =	ssyncadd.s32 $0xFFFFEC00  }
0x5f: {  	[spmem:s2] =	stream.indirect.scatter.add.f32 [tilespmem:s16], [sflag:$0x3], $0x40, s20, s14, $0xb8;
	[tilespmem:$0x16440] =	vst v63  }
0x60: {  	_ =	swait.ge [sflag:s12], $0x1400  }
0x61: {  	s21 =	sadd.s32 $0x1, s21;
	[sflag:s12] =	ssyncset.done $0x0  }
0x62: {  	p0 =	sne.s32 s21, s10;
	[sflag:s12] =	ssyncadd.s32 $0xFFFFEC00  }
.Ltmp2:
0x63: {  	[bflag:$0x0] =	sbarrier.arrive $0xFFFF;
	(pc) =	sbr.rel @p0 .LBB2_1-.Ltmp2, $4  }
0x64: {  	[hbm:s9], [sflag:s6] =	dma.local [spmem:s11], $0x1400  }
0x65: {  	_ =	swait.ge [sflag:s12], $0x1400  }
0x66: {  	[sflag:s12] =	ssyncset.done $0x0  }
0x67: {  	[sflag:s12] =	ssyncadd.s32 $0xFFFFEC00  }
0x68: {  	_ =	sfence.sel $0x180000  }
0x69: {  	[bflag:$0x0] =	sbarrier.arrive $0xFFFF  }
0x6a: {  	p0 =	sne.s32 s1, $0x0;
	_ =	strace $0x9000004A  }
0x6b: {  	s0 =	sadd.s32 @!p0 $0x100000, s0;
	[bflag:$0x2] =	sbarrier.arrive $0xFFFF  }
0x6c: {  	[sflag:s0] =	ssyncadd.tile.s32 @!p0 $0x1;
	_ =	shalt  }
.Lfunc_end2:
_tile_overlayer_lowered:
.L_overlay_start_2:
0x6d: {  	(tag) =	ssettag $0x2  }
0x6e: {  	s0 =	rddreg [dreg:$0x0];
	s2 =	stileid.u32  }
0x6f: {  	s1 =	rddreg [dreg:$0x1];
	p0 =	sne.s32 s2, $0x0  }
0x70: {  	s3 =	rddreg [dreg:$0x2];
	[bflag:$0x3] =	sbarrier.arrive $0xFFFF;
	s2 =	simm.s32 @!p0 $0x1C03  }
0x71: {  	[timem:s3], [sflag:s2] =	dma.local @!p0 [hbm:s0], s1  }
0x72: {  	s0 =	simm.s32 @!p0 $0x3  }
0x73: {  	_ =	swait.ge @!p0 [sflag:s0], s1  }
0x74: {  	s1 =	ssub.s32 @!p0 $0x0, s1;
	[sflag:s0] =	ssyncset.done @!p0 $0x0  }
0x75: {  	[sflag:s0] =	ssyncadd.s32 @!p0 s1  }
0x76: {  	[bflag:$0x3] =	sbarrier.arrive $0xFFFF  }
0x77: {  	_ =	shalt  }

</sc_bundles>
